<compile_context>
chip_gen: v7x
topology: tpu7x:2x2x1
jax: 0.10.2.dev20260603
libtpu: 0.0.44.dev20260713+nightly
codegen_flags: <defaults>
</compile_context>

<pallas_src>
import functools
import math

import jax
import jax.numpy as jnp
from jax import lax
from jax.experimental import pallas as pl
from jax.experimental.pallas import tpu as pltpu
from jax.experimental.pallas import tpu_sc as plsc

B_ = 16384
A_ = 26
NB_ = 20
D_ = 32
OUT_ = 128
H_ = (A_ * D_) // 2
C_ = A_ * NB_
AD_ = A_ * D_

BT = 4096
NT = B_ // BT

L_ = 16
NW_ = 32
ROWS_ = B_ // NW_
OFF_ = A_ - L_

_INV_SQRT2 = 1.0 / math.sqrt(2.0)


def _gelu(x):
    return 0.5 * x * (1.0 + jax.lax.erf(x * _INV_SQRT2))


def _sc_minmax_body(act_hbm, out_hbm, act_v, part_v):
    c = lax.axis_index("c")
    s = lax.axis_index("s")
    wid = s * 2 + c

    pltpu.sync_copy(act_hbm.at[pl.ds(wid * (ROWS_ * A_), ROWS_ * A_)], act_v)

    def p1(i, carry):
        mn0, mn1, mx0, mx1 = carry
        a0 = act_v[pl.ds(i * A_, L_)]
        a1 = act_v[pl.ds(i * A_ + OFF_, L_)]
        return (jnp.minimum(mn0, a0), jnp.minimum(mn1, a1),
                jnp.maximum(mx0, a0), jnp.maximum(mx1, a1))

    big = jnp.full((L_,), jnp.inf, jnp.float32)
    mn0, mn1, mx0, mx1 = lax.fori_loop(0, ROWS_, p1, (big, big, -big, -big),
                                       unroll=8)
    part_v[pl.ds(0, L_)] = mn0
    part_v[pl.ds(L_, L_)] = mn1
    part_v[pl.ds(2 * L_, L_)] = mx0
    part_v[pl.ds(3 * L_, L_)] = mx1
    pltpu.sync_copy(part_v.at[pl.ds(0, 2 * L_)],
                    out_hbm.at[pl.ds(wid * (2 * L_), 2 * L_)])
    pltpu.sync_copy(part_v.at[pl.ds(2 * L_, 2 * L_)],
                    out_hbm.at[pl.ds((NW_ + wid) * (2 * L_), 2 * L_)])


@functools.partial(
    pl.kernel,
    mesh=plsc.VectorSubcoreMesh(core_axis_name="c", subcore_axis_name="s"),
    out_type=jax.ShapeDtypeStruct((2 * NW_ * 2 * L_,), jnp.float32),
    scratch_types=[
        pltpu.VMEM((ROWS_ * A_,), jnp.float32),
        pltpu.VMEM((4 * L_,), jnp.float32),
    ],
)
def _sc_minmax(act_hbm, out_hbm, act_v, part_v):
    _sc_minmax_body(act_hbm, out_hbm, act_v, part_v)


def _main_body(tlin_ref, pm_ref, act_ref, tab_ref, W1_ref, b1_ref, W2_ref,
               b2_ref, out_ref, mm_ref, E_ref, M_ref):
    t = pl.program_id(0)

    @pl.when(t == 0)
    def _prep():
        mna = jnp.min(pm_ref[0:NW_, :], axis=0, keepdims=True)
        mxa = jnp.max(pm_ref[NW_:2 * NW_, :], axis=0, keepdims=True)
        mn26 = jnp.concatenate(
            [mna[0:1, 0:L_], mna[0:1, L_ + (L_ - OFF_):2 * L_]], axis=1)
        mx26 = jnp.concatenate(
            [mxa[0:1, 0:L_], mxa[0:1, L_ + (L_ - OFF_):2 * L_]], axis=1)
        mm_ref[0:1, :] = mn26
        mm_ref[1:2, :] = mx26 - mn26
        er = jax.lax.broadcasted_iota(jnp.int32, (A_, C_), 0)
        ec = jax.lax.broadcasted_iota(jnp.int32, (A_, C_), 1)
        E_ref[...] = jnp.where(ec // NB_ == er, 1.0, 0.0).astype(jnp.bfloat16)
        dr = jax.lax.broadcasted_iota(jnp.int32, (D_, AD_), 0)
        dc = jax.lax.broadcasted_iota(jnp.int32, (D_, AD_), 1)
        erep = jnp.where(dc % D_ == dr, 1.0, 0.0)
        mr = jax.lax.broadcasted_iota(jnp.int32, (C_, AD_), 0)
        mc = jax.lax.broadcasted_iota(jnp.int32, (C_, AD_), 1)
        mask = jnp.where(mr // NB_ == mc // D_, 1.0, 0.0)
        t520 = jnp.dot(tab_ref[...], erep,
                       preferred_element_type=jnp.float32) * mask
        M_ref[...] = jnp.dot(t520, W1_ref[...],
                             preferred_element_type=jnp.float32
                             ).astype(jnp.bfloat16)

    act = act_ref[...]
    mn = mm_ref[0:1, :]
    diff = mm_ref[1:2, :]
    cnt = jnp.zeros_like(act)
    for k in range(1, NB_ + 1):
        th = mn + diff * tlin_ref[0, k]
        cnt = cnt + jnp.where(th < act, 1.0, 0.0)
    binv = jnp.minimum(cnt, float(NB_ - 1)).astype(jnp.bfloat16)
    bin_e = jnp.dot(binv, E_ref[...], preferred_element_type=jnp.float32)
    cidx = jax.lax.broadcasted_iota(jnp.int32, (1, C_), 1)
    jmod = (cidx % NB_).astype(jnp.float32)
    onehot = jnp.where(bin_e == jmod, 1.0, 0.0).astype(jnp.bfloat16)
    hpre = jnp.dot(onehot, M_ref[...],
                   preferred_element_type=jnp.float32) + b1_ref[...]
    h = _gelu(hpre).astype(jnp.bfloat16)
    o = jnp.dot(h, W2_ref[...], preferred_element_type=jnp.float32)
    out_ref[...] = _gelu(o + b2_ref[...])


def kernel(actions, tables, W1, b1, W2, b2):
    tab520 = tables.reshape(C_, D_)
    tlin2 = jnp.linspace(0.0, 1.0, NB_ + 1,
                         dtype=jnp.float32).reshape(1, NB_ + 1)
    b1r = b1.reshape(1, H_)
    b2r = b2.reshape(1, OUT_)

    pm = _sc_minmax(actions.reshape(-1)).reshape(2 * NW_, 2 * L_)

    out = pl.pallas_call(
        _main_body,
        grid=(NT,),
        in_specs=[
            pl.BlockSpec((1, NB_ + 1), lambda t: (0, 0)),
            pl.BlockSpec((2 * NW_, 2 * L_), lambda t: (0, 0)),
            pl.BlockSpec((BT, A_), lambda t: (t, 0)),
            pl.BlockSpec((C_, D_), lambda t: (0, 0)),
            pl.BlockSpec((AD_, H_), lambda t: (0, 0)),
            pl.BlockSpec((1, H_), lambda t: (0, 0)),
            pl.BlockSpec((H_, OUT_), lambda t: (0, 0)),
            pl.BlockSpec((1, OUT_), lambda t: (0, 0)),
        ],
        out_specs=pl.BlockSpec((BT, OUT_), lambda t: (t, 0)),
        out_shape=jax.ShapeDtypeStruct((B_, OUT_), jnp.float32),
        scratch_shapes=[
            pltpu.VMEM((2, A_), jnp.float32),
            pltpu.VMEM((A_, C_), jnp.bfloat16),
            pltpu.VMEM((C_, H_), jnp.bfloat16),
        ],
        compiler_params=pltpu.CompilerParams(
            dimension_semantics=("arbitrary",)),
    )(tlin2, pm, actions, tab520, W1, b1r, W2, b2r)
    return out

# --- scband reference (transcript-rebuilt; emitter-appended) ---
"""Pipeline reference for scband-adaptive-bin-action-embedding-10222022164752 (READ-ONLY COPY).

The authoritative reference and input builder live on the scoring server;
editing this copy changes nothing except your own understanding.
"""

import jax, jax.numpy as jnp
import numpy as np

B = 16384
A = 26
NB = 20
D = 32
OUT = 128


def setup_inputs(seed: int = 0):
    key = jax.random.key(seed)
    ks = jax.random.split(key, 6)
    actions = jax.random.normal(ks[0], (B, A), dtype=jnp.float32)
    tables = jax.random.normal(ks[1], (A, NB, D), dtype=jnp.float32) * 0.02
    H = (A * D) // 2
    W1 = jax.random.normal(ks[2], (A * D, H), dtype=jnp.float32) * 0.02
    b1 = jnp.zeros((H,), dtype=jnp.float32)
    W2 = jax.random.normal(ks[3], (H, OUT), dtype=jnp.float32) * 0.02
    b2 = jnp.zeros((OUT,), dtype=jnp.float32)
    return {"actions": actions, "tables": tables, "W1": W1, "b1": b1, "W2": W2, "b2": b2}


def reference(actions, tables, W1, b1, W2, b2):
    # update_running_stats: buffers start at +inf/-inf so first update equals batch min/max
    running_min = jnp.min(actions, axis=0)
    running_max = jnp.max(actions, axis=0)
    # compute_bins: per-dim linspace boundaries [A, NB+1]
    t = jnp.linspace(0.0, 1.0, NB + 1, dtype=jnp.float32)
    boundaries = running_min[:, None] + (running_max - running_min)[:, None] * t[None, :]
    # discretize: torch.bucketize(right=False) == searchsorted side='left', then clamp(idx-1, 0, NB-1)
    idx = jax.vmap(lambda v, b: jnp.searchsorted(b, v, side='left'), in_axes=(1, 0), out_axes=1)(actions, boundaries)
    idx = jnp.clip(idx - 1, 0, NB - 1)
    # per-dim embedding lookup then concat: [B, A, D] -> [B, A*D]
    emb = tables[jnp.arange(A)[None, :], idx]
    flat = emb.reshape(actions.shape[0], A * D)
    # output MLP with exact (erf) GELU to match torch nn.GELU default
    h = jax.nn.gelu(flat @ W1 + b1, approximate=False)
    out = jax.nn.gelu(h @ W2 + b2, approximate=False)
    return out

if __name__ == "__main__":
    import jax
    _d = setup_inputs()
    print(jax.jit(kernel)(*tuple(_d.values())))

</pallas_src>

<mosaic_0001>
#map = affine_map<(d0, d1) -> (0)>
module attributes {stable_mosaic.version = 14 : i64} {
  func.func @_sc_minmax(%arg0: i32, %arg1: i32, %arg2: memref<425984xf32, #tpu.memory_space<hbm>>, %arg3: memref<2048xf32, #tpu.memory_space<hbm>>, %arg4: memref<13312xf32, #tpu.memory_space<vmem>>, %arg5: memref<64xf32, #tpu.memory_space<vmem>>) attributes {dimension_semantics = [#tpu.dimension_semantics<core_parallel>, #tpu.dimension_semantics<subcore_parallel>], iteration_bounds = array<i64: 2, 16>, scalar_prefetch = 0 : i64, scratch_operands = 2 : i64, tpu.core_type = #tpu.core_type<sc_vector_subcore>, window_params = [{transform_indices = #map}, {transform_indices = #map}]} {
    %mul3A = arith.constant 2 : i32
    %mul3A_0 = arith.muli %arg1, %mul3A : i32
    %add3A = arith.addi %mul3A_0, %arg0 : i32
    %mul3A_1 = arith.constant 13312 : i32
    %mul3A_2 = arith.muli %add3A, %mul3A_1 : i32
    "tpu.region"() ({
      %run_scoped3A = tpu.sem_alloc : memref<!tpu.dma_semaphore, #tpu.memory_space<semaphore_mem>>
      %dma_start3A = tpu.memref_slice %arg2[%mul3A_2] : memref<425984xf32, #tpu.memory_space<hbm>> -> memref<13312xf32, #tpu.memory_space<hbm>>
      %dma_start3A_35 = tpu.memref_slice %arg2[%mul3A_2] : memref<425984xf32, #tpu.memory_space<hbm>> -> memref<13312xf32, #tpu.memory_space<hbm>>
      tpu.enqueue_dma source(%dma_start3A_35 : memref<13312xf32, #tpu.memory_space<hbm>>) target(%arg4 : memref<13312xf32, #tpu.memory_space<vmem>>) target_semaphore(%run_scoped3A : memref<!tpu.dma_semaphore, #tpu.memory_space<semaphore_mem>>)
      %dma_wait3A = tpu.memref_slice %arg2[%mul3A_2] : memref<425984xf32, #tpu.memory_space<hbm>> -> memref<13312xf32, #tpu.memory_space<hbm>>
      %dma_wait3A_36 = tpu.memref_slice %arg2[%mul3A_2] : memref<425984xf32, #tpu.memory_space<hbm>> -> memref<13312xf32, #tpu.memory_space<hbm>>
      tpu.wait_dma2 semaphore(%run_scoped3A : memref<!tpu.dma_semaphore, #tpu.memory_space<semaphore_mem>>) src(%dma_wait3A_36 : memref<13312xf32, #tpu.memory_space<hbm>>) dst(%arg4 : memref<13312xf32, #tpu.memory_space<vmem>>)
      tpu.yield
    }) : () -> ()
    %broadcast_in_dim3A = arith.constant 0x7F800000 : f32
    %broadcast_in_dim3A_3 = vector.broadcast %broadcast_in_dim3A : f32 to vector<16xf32>
    %neg3A = arith.constant 0.000000e+00 : f32
    %neg3A_4 = vector.broadcast %neg3A : f32 to vector<16xf32>
    %neg3A_5 = arith.subf %neg3A_4, %broadcast_in_dim3A_3 : vector<16xf32>
    %neg3A_6 = arith.constant 0.000000e+00 : f32
    %neg3A_7 = vector.broadcast %neg3A_6 : f32 to vector<16xf32>
    %neg3A_8 = arith.subf %neg3A_7, %broadcast_in_dim3A_3 : vector<16xf32>
    %scan3A = arith.constant 0 : i32
    %scan3A_9 = arith.constant 512 : i32
    %scan3A_10 = arith.addi %scan3A, %scan3A_9 : i32
    %scan3A_11 = arith.constant 8 : i32
    %scan3A_12:4 = scf.for %scan3A_35 = %scan3A to %scan3A_10 step %scan3A_11 iter_args(%scan3A_36 = %broadcast_in_dim3A_3, %scan3A_37 = %broadcast_in_dim3A_3, %scan3A_38 = %neg3A_5, %scan3A_39 = %neg3A_8) -> (vector<16xf32>, vector<16xf32>, vector<16xf32>, vector<16xf32>)  : i32 {
      %mul3A_40 = arith.constant 26 : i32
      %mul3A_41 = arith.muli %scan3A_35, %mul3A_40 : i32
      %get3A = arith.index_cast %mul3A_41 : i32 to index
      %get3A_42 = tpu.vector_load %arg4[%get3A] {strides = array<i32>} : memref<13312xf32, #tpu.memory_space<vmem>>, vector<16xf32>,
      %get3A_43 = vector.shape_cast %get3A_42 : vector<16xf32> to vector<16xf32>
      %mul3A_44 = arith.constant 26 : i32
      %mul3A_45 = arith.muli %scan3A_35, %mul3A_44 : i32
      %add3A_46 = arith.constant 10 : i32
      %add3A_47 = arith.addi %mul3A_45, %add3A_46 : i32
      %get3A_48 = arith.index_cast %add3A_47 : i32 to index
      %get3A_49 = tpu.vector_load %arg4[%get3A_48] {strides = array<i32>} : memref<13312xf32, #tpu.memory_space<vmem>>, vector<16xf32>,
      %get3A_50 = vector.shape_cast %get3A_49 : vector<16xf32> to vector<16xf32>
      %min3A = arith.minimumf %scan3A_36, %get3A_43 : vector<16xf32>
      %min3A_51 = arith.minimumf %scan3A_37, %get3A_50 : vector<16xf32>
      %max3A = arith.maximumf %scan3A_38, %get3A_43 : vector<16xf32>
      %max3A_52 = arith.maximumf %scan3A_39, %get3A_50 : vector<16xf32>
      %scan3A_53 = arith.constant 1 : i32
      %scan3A_54 = arith.addi %scan3A_35, %scan3A_53 : i32
      %mul3A_55 = arith.constant 26 : i32
      %mul3A_56 = arith.muli %scan3A_54, %mul3A_55 : i32
      %get3A_57 = arith.index_cast %mul3A_56 : i32 to index
      %get3A_58 = tpu.vector_load %arg4[%get3A_57] {strides = array<i32>} : memref<13312xf32, #tpu.memory_space<vmem>>, vector<16xf32>,
      %get3A_59 = vector.shape_cast %get3A_58 : vector<16xf32> to vector<16xf32>
      %mul3A_60 = arith.constant 26 : i32
      %mul3A_61 = arith.muli %scan3A_54, %mul3A_60 : i32
      %add3A_62 = arith.constant 10 : i32
      %add3A_63 = arith.addi %mul3A_61, %add3A_62 : i32
      %get3A_64 = arith.index_cast %add3A_63 : i32 to index
      %get3A_65 = tpu.vector_load %arg4[%get3A_64] {strides = array<i32>} : memref<13312xf32, #tpu.memory_space<vmem>>, vector<16xf32>,
      %get3A_66 = vector.shape_cast %get3A_65 : vector<16xf32> to vector<16xf32>
      %min3A_67 = arith.minimumf %min3A, %get3A_59 : vector<16xf32>
      %min3A_68 = arith.minimumf %min3A_51, %get3A_66 : vector<16xf32>
      %max3A_69 = arith.maximumf %max3A, %get3A_59 : vector<16xf32>
      %max3A_70 = arith.maximumf %max3A_52, %get3A_66 : vector<16xf32>
      %scan3A_71 = arith.constant 2 : i32
      %scan3A_72 = arith.addi %scan3A_35, %scan3A_71 : i32
      %mul3A_73 = arith.constant 26 : i32
      %mul3A_74 = arith.muli %scan3A_72, %mul3A_73 : i32
      %get3A_75 = arith.index_cast %mul3A_74 : i32 to index
      %get3A_76 = tpu.vector_load %arg4[%get3A_75] {strides = array<i32>} : memref<13312xf32, #tpu.memory_space<vmem>>, vector<16xf32>,
      %get3A_77 = vector.shape_cast %get3A_76 : vector<16xf32> to vector<16xf32>
      %mul3A_78 = arith.constant 26 : i32
      %mul3A_79 = arith.muli %scan3A_72, %mul3A_78 : i32
      %add3A_80 = arith.constant 10 : i32
      %add3A_81 = arith.addi %mul3A_79, %add3A_80 : i32
      %get3A_82 = arith.index_cast %add3A_81 : i32 to index
      %get3A_83 = tpu.vector_load %arg4[%get3A_82] {strides = array<i32>} : memref<13312xf32, #tpu.memory_space<vmem>>, vector<16xf32>,
      %get3A_84 = vector.shape_cast %get3A_83 : vector<16xf32> to vector<16xf32>
      %min3A_85 = arith.minimumf %min3A_67, %get3A_77 : vector<16xf32>
      %min3A_86 = arith.minimumf %min3A_68, %get3A_84 : vector<16xf32>
      %max3A_87 = arith.maximumf %max3A_69, %get3A_77 : vector<16xf32>
      %max3A_88 = arith.maximumf %max3A_70, %get3A_84 : vector<16xf32>
      %scan3A_89 = arith.constant 3 : i32
      %scan3A_90 = arith.addi %scan3A_35, %scan3A_89 : i32
      %mul3A_91 = arith.constant 26 : i32
      %mul3A_92 = arith.muli %scan3A_90, %mul3A_91 : i32
      %get3A_93 = arith.index_cast %mul3A_92 : i32 to index
      %get3A_94 = tpu.vector_load %arg4[%get3A_93] {strides = array<i32>} : memref<13312xf32, #tpu.memory_space<vmem>>, vector<16xf32>,
      %get3A_95 = vector.shape_cast %get3A_94 : vector<16xf32> to vector<16xf32>
      %mul3A_96 = arith.constant 26 : i32
      %mul3A_97 = arith.muli %scan3A_90, %mul3A_96 : i32
      %add3A_98 = arith.constant 10 : i32
      %add3A_99 = arith.addi %mul3A_97, %add3A_98 : i32
      %get3A_100 = arith.index_cast %add3A_99 : i32 to index
      %get3A_101 = tpu.vector_load %arg4[%get3A_100] {strides = array<i32>} : memref<13312xf32, #tpu.memory_space<vmem>>, vector<16xf32>,
      %get3A_102 = vector.shape_cast %get3A_101 : vector<16xf32> to vector<16xf32>
      %min3A_103 = arith.minimumf %min3A_85, %get3A_95 : vector<16xf32>
      %min3A_104 = arith.minimumf %min3A_86, %get3A_102 : vector<16xf32>
      %max3A_105 = arith.maximumf %max3A_87, %get3A_95 : vector<16xf32>
      %max3A_106 = arith.maximumf %max3A_88, %get3A_102 : vector<16xf32>
      %scan3A_107 = arith.constant 4 : i32
      %scan3A_108 = arith.addi %scan3A_35, %scan3A_107 : i32
      %mul3A_109 = arith.constant 26 : i32
      %mul3A_110 = arith.muli %scan3A_108, %mul3A_109 : i32
      %get3A_111 = arith.index_cast %mul3A_110 : i32 to index
      %get3A_112 = tpu.vector_load %arg4[%get3A_111] {strides = array<i32>} : memref<13312xf32, #tpu.memory_space<vmem>>, vector<16xf32>,
      %get3A_113 = vector.shape_cast %get3A_112 : vector<16xf32> to vector<16xf32>
      %mul3A_114 = arith.constant 26 : i32
      %mul3A_115 = arith.muli %scan3A_108, %mul3A_114 : i32
      %add3A_116 = arith.constant 10 : i32
      %add3A_117 = arith.addi %mul3A_115, %add3A_116 : i32
      %get3A_118 = arith.index_cast %add3A_117 : i32 to index
      %get3A_119 = tpu.vector_load %arg4[%get3A_118] {strides = array<i32>} : memref<13312xf32, #tpu.memory_space<vmem>>, vector<16xf32>,
      %get3A_120 = vector.shape_cast %get3A_119 : vector<16xf32> to vector<16xf32>
      %min3A_121 = arith.minimumf %min3A_103, %get3A_113 : vector<16xf32>
      %min3A_122 = arith.minimumf %min3A_104, %get3A_120 : vector<16xf32>
      %max3A_123 = arith.maximumf %max3A_105, %get3A_113 : vector<16xf32>
      %max3A_124 = arith.maximumf %max3A_106, %get3A_120 : vector<16xf32>
      %scan3A_125 = arith.constant 5 : i32
      %scan3A_126 = arith.addi %scan3A_35, %scan3A_125 : i32
      %mul3A_127 = arith.constant 26 : i32
      %mul3A_128 = arith.muli %scan3A_126, %mul3A_127 : i32
      %get3A_129 = arith.index_cast %mul3A_128 : i32 to index
      %get3A_130 = tpu.vector_load %arg4[%get3A_129] {strides = array<i32>} : memref<13312xf32, #tpu.memory_space<vmem>>, vector<16xf32>,
      %get3A_131 = vector.shape_cast %get3A_130 : vector<16xf32> to vector<16xf32>
      %mul3A_132 = arith.constant 26 : i32
      %mul3A_133 = arith.muli %scan3A_126, %mul3A_132 : i32
      %add3A_134 = arith.constant 10 : i32
      %add3A_135 = arith.addi %mul3A_133, %add3A_134 : i32
      %get3A_136 = arith.index_cast %add3A_135 : i32 to index
      %get3A_137 = tpu.vector_load %arg4[%get3A_136] {strides = array<i32>} : memref<13312xf32, #tpu.memory_space<vmem>>, vector<16xf32>,
      %get3A_138 = vector.shape_cast %get3A_137 : vector<16xf32> to vector<16xf32>
      %min3A_139 = arith.minimumf %min3A_121, %get3A_131 : vector<16xf32>
      %min3A_140 = arith.minimumf %min3A_122, %get3A_138 : vector<16xf32>
      %max3A_141 = arith.maximumf %max3A_123, %get3A_131 : vector<16xf32>
      %max3A_142 = arith.maximumf %max3A_124, %get3A_138 : vector<16xf32>
      %scan3A_143 = arith.constant 6 : i32
      %scan3A_144 = arith.addi %scan3A_35, %scan3A_143 : i32
      %mul3A_145 = arith.constant 26 : i32
      %mul3A_146 = arith.muli %scan3A_144, %mul3A_145 : i32
      %get3A_147 = arith.index_cast %mul3A_146 : i32 to index
      %get3A_148 = tpu.vector_load %arg4[%get3A_147] {strides = array<i32>} : memref<13312xf32, #tpu.memory_space<vmem>>, vector<16xf32>,
      %get3A_149 = vector.shape_cast %get3A_148 : vector<16xf32> to vector<16xf32>
      %mul3A_150 = arith.constant 26 : i32
      %mul3A_151 = arith.muli %scan3A_144, %mul3A_150 : i32
      %add3A_152 = arith.constant 10 : i32
      %add3A_153 = arith.addi %mul3A_151, %add3A_152 : i32
      %get3A_154 = arith.index_cast %add3A_153 : i32 to index
      %get3A_155 = tpu.vector_load %arg4[%get3A_154] {strides = array<i32>} : memref<13312xf32, #tpu.memory_space<vmem>>, vector<16xf32>,
      %get3A_156 = vector.shape_cast %get3A_155 : vector<16xf32> to vector<16xf32>
      %min3A_157 = arith.minimumf %min3A_139, %get3A_149 : vector<16xf32>
      %min3A_158 = arith.minimumf %min3A_140, %get3A_156 : vector<16xf32>
      %max3A_159 = arith.maximumf %max3A_141, %get3A_149 : vector<16xf32>
      %max3A_160 = arith.maximumf %max3A_142, %get3A_156 : vector<16xf32>
      %scan3A_161 = arith.constant 7 : i32
      %scan3A_162 = arith.addi %scan3A_35, %scan3A_161 : i32
      %mul3A_163 = arith.constant 26 : i32
      %mul3A_164 = arith.muli %scan3A_162, %mul3A_163 : i32
      %get3A_165 = arith.index_cast %mul3A_164 : i32 to index
      %get3A_166 = tpu.vector_load %arg4[%get3A_165] {strides = array<i32>} : memref<13312xf32, #tpu.memory_space<vmem>>, vector<16xf32>,
      %get3A_167 = vector.shape_cast %get3A_166 : vector<16xf32> to vector<16xf32>
      %mul3A_168 = arith.constant 26 : i32
      %mul3A_169 = arith.muli %scan3A_162, %mul3A_168 : i32
      %add3A_170 = arith.constant 10 : i32
      %add3A_171 = arith.addi %mul3A_169, %add3A_170 : i32
      %get3A_172 = arith.index_cast %add3A_171 : i32 to index
      %get3A_173 = tpu.vector_load %arg4[%get3A_172] {strides = array<i32>} : memref<13312xf32, #tpu.memory_space<vmem>>, vector<16xf32>,
      %get3A_174 = vector.shape_cast %get3A_173 : vector<16xf32> to vector<16xf32>
      %min3A_175 = arith.minimumf %min3A_157, %get3A_167 : vector<16xf32>
      %min3A_176 = arith.minimumf %min3A_158, %get3A_174 : vector<16xf32>
      %max3A_177 = arith.maximumf %max3A_159, %get3A_167 : vector<16xf32>
      %max3A_178 = arith.maximumf %max3A_160, %get3A_174 : vector<16xf32>
      scf.yield %min3A_175, %min3A_176, %max3A_177, %max3A_178 : vector<16xf32>, vector<16xf32>, vector<16xf32>, vector<16xf32>
    }
    %scan3A_13 = arith.constant 512 : i32
    %swap3A = arith.constant 0 : index
    %swap3A_14 = tpu.vector_load %arg5[%swap3A] {strides = array<i32>} : memref<64xf32, #tpu.memory_space<vmem>>, vector<16xf32>,
    %swap3A_15 = vector.shape_cast %swap3A_14 : vector<16xf32> to vector<16xf32>
    %swap3A_16 = vector.shape_cast %scan3A_12#0 : vector<16xf32> to vector<16xf32>
    tpu.vector_store %arg5[%swap3A], %swap3A_16 {strides = array<i32>} : memref<64xf32, #tpu.memory_space<vmem>>, vector<16xf32>,
    %swap3A_17 = arith.constant 16 : index
    %swap3A_18 = tpu.vector_load %arg5[%swap3A_17] {strides = array<i32>} : memref<64xf32, #tpu.memory_space<vmem>>, vector<16xf32>,
    %swap3A_19 = vector.shape_cast %swap3A_18 : vector<16xf32> to vector<16xf32>
    %swap3A_20 = vector.shape_cast %scan3A_12#1 : vector<16xf32> to vector<16xf32>
    tpu.vector_store %arg5[%swap3A_17], %swap3A_20 {strides = array<i32>} : memref<64xf32, #tpu.memory_space<vmem>>, vector<16xf32>,
    %swap3A_21 = arith.constant 32 : index
    %swap3A_22 = tpu.vector_load %arg5[%swap3A_21] {strides = array<i32>} : memref<64xf32, #tpu.memory_space<vmem>>, vector<16xf32>,
    %swap3A_23 = vector.shape_cast %swap3A_22 : vector<16xf32> to vector<16xf32>
    %swap3A_24 = vector.shape_cast %scan3A_12#2 : vector<16xf32> to vector<16xf32>
    tpu.vector_store %arg5[%swap3A_21], %swap3A_24 {strides = array<i32>} : memref<64xf32, #tpu.memory_space<vmem>>, vector<16xf32>,
    %swap3A_25 = arith.constant 48 : index
    %swap3A_26 = tpu.vector_load %arg5[%swap3A_25] {strides = array<i32>} : memref<64xf32, #tpu.memory_space<vmem>>, vector<16xf32>,
    %swap3A_27 = vector.shape_cast %swap3A_26 : vector<16xf32> to vector<16xf32>
    %swap3A_28 = vector.shape_cast %scan3A_12#3 : vector<16xf32> to vector<16xf32>
    tpu.vector_store %arg5[%swap3A_25], %swap3A_28 {strides = array<i32>} : memref<64xf32, #tpu.memory_space<vmem>>, vector<16xf32>,
    %mul3A_29 = arith.constant 32 : i32
    %mul3A_30 = arith.muli %add3A, %mul3A_29 : i32
    "tpu.region"() ({
      %run_scoped3A = tpu.sem_alloc : memref<!tpu.dma_semaphore, #tpu.memory_space<semaphore_mem>>
      %dma_start3A = arith.constant 0 : i32
      %dma_start3A_35 = tpu.memref_slice %arg5[%dma_start3A] : memref<64xf32, #tpu.memory_space<vmem>> -> memref<32xf32, #tpu.memory_space<vmem>>
      %dma_start3A_36 = tpu.memref_slice %arg3[%mul3A_30] : memref<2048xf32, #tpu.memory_space<hbm>> -> memref<32xf32, #tpu.memory_space<hbm>>
      %dma_start3A_37 = tpu.memref_slice %arg3[%mul3A_30] : memref<2048xf32, #tpu.memory_space<hbm>> -> memref<32xf32, #tpu.memory_space<hbm>>
      %dma_start3A_38 = arith.constant 0 : i32
      %dma_start3A_39 = tpu.memref_slice %arg5[%dma_start3A_38] : memref<64xf32, #tpu.memory_space<vmem>> -> memref<32xf32, #tpu.memory_space<vmem>>
      tpu.enqueue_dma source(%dma_start3A_39 : memref<32xf32, #tpu.memory_space<vmem>>) target(%dma_start3A_37 : memref<32xf32, #tpu.memory_space<hbm>>) target_semaphore(%run_scoped3A : memref<!tpu.dma_semaphore, #tpu.memory_space<semaphore_mem>>)
      %dma_wait3A = arith.constant 0 : i32
      %dma_wait3A_40 = tpu.memref_slice %arg5[%dma_wait3A] : memref<64xf32, #tpu.memory_space<vmem>> -> memref<32xf32, #tpu.memory_space<vmem>>
      %dma_wait3A_41 = tpu.memref_slice %arg3[%mul3A_30] : memref<2048xf32, #tpu.memory_space<hbm>> -> memref<32xf32, #tpu.memory_space<hbm>>
      %dma_wait3A_42 = tpu.memref_slice %arg3[%mul3A_30] : memref<2048xf32, #tpu.memory_space<hbm>> -> memref<32xf32, #tpu.memory_space<hbm>>
      %dma_wait3A_43 = arith.constant 0 : i32
      %dma_wait3A_44 = tpu.memref_slice %arg5[%dma_wait3A_43] : memref<64xf32, #tpu.memory_space<vmem>> -> memref<32xf32, #tpu.memory_space<vmem>>
      tpu.wait_dma2 semaphore(%run_scoped3A : memref<!tpu.dma_semaphore, #tpu.memory_space<semaphore_mem>>) src(%dma_wait3A_44 : memref<32xf32, #tpu.memory_space<vmem>>) dst(%dma_wait3A_42 : memref<32xf32, #tpu.memory_space<hbm>>)
      tpu.yield
    }) : () -> ()
    %add3A_31 = arith.constant 32 : i32
    %add3A_32 = arith.addi %add3A_31, %add3A : i32
    %mul3A_33 = arith.constant 32 : i32
    %mul3A_34 = arith.muli %add3A_32, %mul3A_33 : i32
    "tpu.region"() ({
      %run_scoped3A = tpu.sem_alloc : memref<!tpu.dma_semaphore, #tpu.memory_space<semaphore_mem>>
      %dma_start3A = arith.constant 32 : i32
      %dma_start3A_35 = tpu.memref_slice %arg5[%dma_start3A] : memref<64xf32, #tpu.memory_space<vmem>> -> memref<32xf32, #tpu.memory_space<vmem>>
      %dma_start3A_36 = tpu.memref_slice %arg3[%mul3A_34] : memref<2048xf32, #tpu.memory_space<hbm>> -> memref<32xf32, #tpu.memory_space<hbm>>
      %dma_start3A_37 = tpu.memref_slice %arg3[%mul3A_34] : memref<2048xf32, #tpu.memory_space<hbm>> -> memref<32xf32, #tpu.memory_space<hbm>>
      %dma_start3A_38 = arith.constant 32 : i32
      %dma_start3A_39 = tpu.memref_slice %arg5[%dma_start3A_38] : memref<64xf32, #tpu.memory_space<vmem>> -> memref<32xf32, #tpu.memory_space<vmem>>
      tpu.enqueue_dma source(%dma_start3A_39 : memref<32xf32, #tpu.memory_space<vmem>>) target(%dma_start3A_37 : memref<32xf32, #tpu.memory_space<hbm>>) target_semaphore(%run_scoped3A : memref<!tpu.dma_semaphore, #tpu.memory_space<semaphore_mem>>)
      %dma_wait3A = arith.constant 32 : i32
      %dma_wait3A_40 = tpu.memref_slice %arg5[%dma_wait3A] : memref<64xf32, #tpu.memory_space<vmem>> -> memref<32xf32, #tpu.memory_space<vmem>>
      %dma_wait3A_41 = tpu.memref_slice %arg3[%mul3A_34] : memref<2048xf32, #tpu.memory_space<hbm>> -> memref<32xf32, #tpu.memory_space<hbm>>
      %dma_wait3A_42 = tpu.memref_slice %arg3[%mul3A_34] : memref<2048xf32, #tpu.memory_space<hbm>> -> memref<32xf32, #tpu.memory_space<hbm>>
      %dma_wait3A_43 = arith.constant 32 : i32
      %dma_wait3A_44 = tpu.memref_slice %arg5[%dma_wait3A_43] : memref<64xf32, #tpu.memory_space<vmem>> -> memref<32xf32, #tpu.memory_space<vmem>>
      tpu.wait_dma2 semaphore(%run_scoped3A : memref<!tpu.dma_semaphore, #tpu.memory_space<semaphore_mem>>) src(%dma_wait3A_44 : memref<32xf32, #tpu.memory_space<vmem>>) dst(%dma_wait3A_42 : memref<32xf32, #tpu.memory_space<hbm>>)
      tpu.yield
    }) : () -> ()
    return
  }
}

module attributes {stable_mosaic.version = 14 : i64} {
  func.func @_main_body(%arg0: i32, %arg1: memref<1x21xf32, #tpu.memory_space<vmem>>, %arg2: memref<64x32xf32, #tpu.memory_space<vmem>>, %arg3: memref<4096x26xf32, #tpu.memory_space<vmem>>, %arg4: memref<520x32xf32, #tpu.memory_space<vmem>>, %arg5: memref<832x416xf32, #tpu.memory_space<vmem>>, %arg6: memref<1x416xf32, #tpu.memory_space<vmem>>, %arg7: memref<416x128xf32, #tpu.memory_space<vmem>>, %arg8: memref<1x128xf32, #tpu.memory_space<vmem>>, %arg9: memref<4096x128xf32, #tpu.memory_space<vmem>>, %arg10: memref<2x26xf32, #tpu.memory_space<vmem>>, %arg11: memref<26x520xbf16, #tpu.memory_space<vmem>>, %arg12: memref<520x416xbf16, #tpu.memory_space<vmem>>) attributes {dimension_semantics = [#tpu.dimension_semantics<arbitrary>], iteration_bounds = array<i64: 4>, scalar_prefetch = 0 : i64, scratch_operands = 3 : i64, tpu.core_type = #tpu.core_type<tc>, window_params = [{pipeline_mode = #tpu.pipeline_mode<synchronous>, transform_indices = @transform_0, window_bounds = array<i64: 1, 21>}, {pipeline_mode = #tpu.pipeline_mode<synchronous>, transform_indices = @transform_1, window_bounds = array<i64: 64, 32>}, {transform_indices = @transform_2, window_bounds = array<i64: 4096, 26>}, {pipeline_mode = #tpu.pipeline_mode<synchronous>, transform_indices = @transform_3, window_bounds = array<i64: 520, 32>}, {pipeline_mode = #tpu.pipeline_mode<synchronous>, transform_indices = @transform_4, window_bounds = array<i64: 832, 416>}, {pipeline_mode = #tpu.pipeline_mode<synchronous>, transform_indices = @transform_5, window_bounds = array<i64: 1, 416>}, {pipeline_mode = #tpu.pipeline_mode<synchronous>, transform_indices = @transform_6, window_bounds = array<i64: 416, 128>}, {pipeline_mode = #tpu.pipeline_mode<synchronous>, transform_indices = @transform_7, window_bounds = array<i64: 1, 128>}, {transform_indices = @transform_8, window_bounds = array<i64: 4096, 128>}]} {
    %eq3A = arith.constant 0 : i32
    %eq3A_0 = arith.cmpi eq, %arg0, %eq3A : i32
    %convert_element_type3A = arith.extui %eq3A_0 : i1 to i32
    %cond3A = arith.constant 0 : i32
    %cond3A_1 = arith.cmpi ne, %convert_element_type3A, %cond3A : i32
    scf.if %cond3A_1 {
      %get3A_385 = arith.constant 0 : index
      %get3A_386 = arith.constant 0 : index
      %get3A_387 = vector.load %arg2[%get3A_385, %get3A_386] : memref<64x32xf32, #tpu.memory_space<vmem>>, vector<32x32xf32>
      %reduce_min3A = arith.constant dense<0x7F800000> : vector<32xf32>
      %reduce_min3A_388 = vector.multi_reduction <minimumf>, %get3A_387, %reduce_min3A [0] : vector<32x32xf32> to vector<32xf32>
      %broadcast_in_dim3A_389 = vector.shape_cast %reduce_min3A_388 : vector<32xf32> to vector<1x32xf32>
      %get3A_390 = arith.constant 32 : index
      %get3A_391 = arith.constant 0 : index
      %get3A_392 = vector.load %arg2[%get3A_390, %get3A_391] : memref<64x32xf32, #tpu.memory_space<vmem>>, vector<32x32xf32>
      %reduce_max3A = arith.constant dense<0xFF800000> : vector<32xf32>
      %reduce_max3A_393 = vector.multi_reduction <maximumf>, %get3A_392, %reduce_max3A [0] : vector<32x32xf32> to vector<32xf32>
      %broadcast_in_dim3A_394 = vector.shape_cast %reduce_max3A_393 : vector<32xf32> to vector<1x32xf32>
      %slice3A = vector.extract_strided_slice %broadcast_in_dim3A_389 {offsets = [0, 0], sizes = [1, 16], strides = [1, 1]} : vector<1x32xf32> to vector<1x16xf32>
      %slice3A_395 = vector.extract_strided_slice %broadcast_in_dim3A_389 {offsets = [0, 22], sizes = [1, 10], strides = [1, 1]} : vector<1x32xf32> to vector<1x10xf32>
      %concatenate3A = tpu.concatenate %slice3A, %slice3A_395 in 1 : vector<1x16xf32>, vector<1x10xf32> -> vector<1x26xf32>
      %slice3A_396 = vector.extract_strided_slice %broadcast_in_dim3A_394 {offsets = [0, 0], sizes = [1, 16], strides = [1, 1]} : vector<1x32xf32> to vector<1x16xf32>
      %slice3A_397 = vector.extract_strided_slice %broadcast_in_dim3A_394 {offsets = [0, 22], sizes = [1, 10], strides = [1, 1]} : vector<1x32xf32> to vector<1x10xf32>
      %concatenate3A_398 = tpu.concatenate %slice3A_396, %slice3A_397 in 1 : vector<1x16xf32>, vector<1x10xf32> -> vector<1x26xf32>
      %swap3A_399 = arith.constant 0 : index
      %swap3A_400 = arith.constant 0 : index
      %swap3A_401 = vector.load %arg10[%swap3A_399, %swap3A_400] : memref<2x26xf32, #tpu.memory_space<vmem>>, vector<1x26xf32>
      tpu.vector_store %arg10[%swap3A_399, %swap3A_400], %concatenate3A {strides = array<i32>} : memref<2x26xf32, #tpu.memory_space<vmem>>, vector<1x26xf32>,
      %sub3A = arith.subf %concatenate3A_398, %concatenate3A : vector<1x26xf32>
      %swap3A_402 = arith.constant 1 : index
      %swap3A_403 = arith.constant 0 : index
      %swap3A_404 = vector.load %arg10[%swap3A_402, %swap3A_403] : memref<2x26xf32, #tpu.memory_space<vmem>>, vector<1x26xf32>
      tpu.vector_store %arg10[%swap3A_402, %swap3A_403], %sub3A {strides = array<i32>} : memref<2x26xf32, #tpu.memory_space<vmem>>, vector<1x26xf32>,
      %iota3A_405 = tpu.iota {dimensions = array<i32: 0>} : vector<26x520xi32>
      %iota3A_406 = tpu.iota {dimensions = array<i32: 1>} : vector<26x520xi32>
      %jit3A_407 = arith.constant 20 : i32
      %div3A = vector.broadcast %jit3A_407 : i32 to vector<26x520xi32>
      %div3A_408 = arith.divsi %iota3A_406, %div3A : vector<26x520xi32>
      %sign3A = arith.constant 0 : i32
      %sign3A_409 = vector.broadcast %sign3A : i32 to vector<26x520xi32>
      %sign3A_410 = arith.cmpi sgt, %iota3A_406, %sign3A_409 : vector<26x520xi32>
      %sign3A_411 = arith.extui %sign3A_410 : vector<26x520xi1> to vector<26x520xi32>
      %sign3A_412 = arith.constant 0 : i32
      %sign3A_413 = vector.broadcast %sign3A_412 : i32 to vector<26x520xi32>
      %sign3A_414 = arith.cmpi slt, %iota3A_406, %sign3A_413 : vector<26x520xi32>
      %sign3A_415 = arith.extui %sign3A_414 : vector<26x520xi1> to vector<26x520xi32>
      %sign3A_416 = arith.subi %sign3A_411, %sign3A_415 : vector<26x520xi32>
      %sign3A_417 = arith.constant 0 : i32
      %sign3A_418 = arith.cmpi sgt, %jit3A_407, %sign3A_417 : i32
      %sign3A_419 = arith.extui %sign3A_418 : i1 to i32
      %sign3A_420 = arith.constant 0 : i32
      %sign3A_421 = arith.cmpi slt, %jit3A_407, %sign3A_420 : i32
      %sign3A_422 = arith.extui %sign3A_421 : i1 to i32
      %sign3A_423 = arith.subi %sign3A_419, %sign3A_422 : i32
      %ne3A_424 = vector.broadcast %sign3A_423 : i32 to vector<26x520xi32>
      %ne3A_425 = arith.cmpi ne, %sign3A_416, %ne3A_424 : vector<26x520xi32>
      %rem3A_426 = vector.broadcast %jit3A_407 : i32 to vector<26x520xi32>
      %rem3A_427 = arith.remsi %iota3A_406, %rem3A_426 : vector<26x520xi32>
      %ne3A_428 = arith.constant 0 : i32
      %ne3A_429 = vector.broadcast %ne3A_428 : i32 to vector<26x520xi32>
      %ne3A_430 = arith.cmpi ne, %rem3A_427, %ne3A_429 : vector<26x520xi32>
      %and3A_431 = arith.andi %ne3A_425, %ne3A_430 : vector<26x520xi1>
      %sub3A_432 = arith.constant 1 : i32
      %sub3A_433 = vector.broadcast %sub3A_432 : i32 to vector<26x520xi32>
      %sub3A_434 = arith.subi %div3A_408, %sub3A_433 : vector<26x520xi32>
      %select_n3A_435 = arith.select %and3A_431, %sub3A_434, %div3A_408 : vector<26x520xi1>, vector<26x520xi32>
      %eq3A_436 = arith.cmpi eq, %select_n3A_435, %iota3A_405 : vector<26x520xi32>
      %jit3A_437 = arith.constant 1.000000e+00 : f32
      %jit3A_438 = arith.constant 0.000000e+00 : f32
      %broadcast_in_dim3A_439 = vector.broadcast %jit3A_437 : f32 to vector<26x520xf32>
      %broadcast_in_dim3A_440 = vector.broadcast %jit3A_438 : f32 to vector<26x520xf32>
      %select_n3A_441 = arith.select %eq3A_436, %broadcast_in_dim3A_439, %broadcast_in_dim3A_440 : vector<26x520xi1>, vector<26x520xf32>
      %convert_element_type3A_442 = arith.truncf %select_n3A_441 : vector<26x520xf32> to vector<26x520xbf16>
      %swap3A_443 = arith.constant 0 : index
      %swap3A_444 = arith.constant 0 : index
      %swap3A_445 = vector.load %arg11[%swap3A_443, %swap3A_444] : memref<26x520xbf16, #tpu.memory_space<vmem>>, vector<26x520xbf16>
      tpu.vector_store %arg11[%swap3A_443, %swap3A_444], %convert_element_type3A_442 {strides = array<i32>} : memref<26x520xbf16, #tpu.memory_space<vmem>>, vector<26x520xbf16>,
      %iota3A_446 = tpu.iota {dimensions = array<i32: 0>} : vector<32x832xi32>
      %iota3A_447 = tpu.iota {dimensions = array<i32: 1>} : vector<32x832xi32>
      %jit3A_448 = arith.constant 32 : i32
      %eq3A_449 = arith.constant 0 : i32
      %eq3A_450 = arith.cmpi eq, %jit3A_448, %eq3A_449 : i32
      %jit3A_451 = arith.constant 1 : i32
      %select_n3A_452 = arith.select %eq3A_450, %jit3A_451, %jit3A_448 : i32
      %rem3A_453 = vector.broadcast %select_n3A_452 : i32 to vector<32x832xi32>
      %rem3A_454 = arith.remsi %iota3A_447, %rem3A_453 : vector<32x832xi32>
      %ne3A_455 = arith.constant 0 : i32
      %ne3A_456 = vector.broadcast %ne3A_455 : i32 to vector<32x832xi32>
      %ne3A_457 = arith.cmpi ne, %rem3A_454, %ne3A_456 : vector<32x832xi32>
      %lt3A_458 = arith.constant 0 : i32
      %lt3A_459 = vector.broadcast %lt3A_458 : i32 to vector<32x832xi32>
      %lt3A_460 = arith.cmpi slt, %rem3A_454, %lt3A_459 : vector<32x832xi32>
      %lt3A_461 = arith.constant 0 : i32
      %lt3A_462 = arith.cmpi slt, %select_n3A_452, %lt3A_461 : i32
      %ne3A_463 = vector.broadcast %lt3A_462 : i1 to vector<32x832xi1>
      %ne3A_464 = vector.broadcast %ne3A_463 : vector<32x832xi1> to vector<32x832xi1>
      %ne3A_465 = arith.xori %lt3A_460, %ne3A_464 : vector<32x832xi1>
      %and3A_466 = arith.andi %ne3A_465, %ne3A_457 : vector<32x832xi1>
      %add3A_467 = vector.broadcast %select_n3A_452 : i32 to vector<32x832xi32>
      %add3A_468 = arith.addi %rem3A_454, %add3A_467 : vector<32x832xi32>
      %select_n3A_469 = arith.select %and3A_466, %add3A_468, %rem3A_454 : vector<32x832xi1>, vector<32x832xi32>
      %eq3A_470 = arith.cmpi eq, %select_n3A_469, %iota3A_446 : vector<32x832xi32>
      %jit3A_471 = arith.constant 1.000000e+00 : f32
      %jit3A_472 = arith.constant 0.000000e+00 : f32
      %broadcast_in_dim3A_473 = vector.broadcast %jit3A_471 : f32 to vector<32x832xf32>
      %broadcast_in_dim3A_474 = vector.broadcast %jit3A_472 : f32 to vector<32x832xf32>
      %select_n3A_475 = arith.select %eq3A_470, %broadcast_in_dim3A_473, %broadcast_in_dim3A_474 : vector<32x832xi1>, vector<32x832xf32>
      %iota3A_476 = tpu.iota {dimensions = array<i32: 0>} : vector<520x832xi32>
      %iota3A_477 = tpu.iota {dimensions = array<i32: 1>} : vector<520x832xi32>
      %jit3A_478 = arith.constant 20 : i32
      %div3A_479 = vector.broadcast %jit3A_478 : i32 to vector<520x832xi32>
      %div3A_480 = arith.divsi %iota3A_476, %div3A_479 : vector<520x832xi32>
      %sign3A_481 = arith.constant 0 : i32
      %sign3A_482 = vector.broadcast %sign3A_481 : i32 to vector<520x832xi32>
      %sign3A_483 = arith.cmpi sgt, %iota3A_476, %sign3A_482 : vector<520x832xi32>
      %sign3A_484 = arith.extui %sign3A_483 : vector<520x832xi1> to vector<520x832xi32>
      %sign3A_485 = arith.constant 0 : i32
      %sign3A_486 = vector.broadcast %sign3A_485 : i32 to vector<520x832xi32>
      %sign3A_487 = arith.cmpi slt, %iota3A_476, %sign3A_486 : vector<520x832xi32>
      %sign3A_488 = arith.extui %sign3A_487 : vector<520x832xi1> to vector<520x832xi32>
      %sign3A_489 = arith.subi %sign3A_484, %sign3A_488 : vector<520x832xi32>
      %sign3A_490 = arith.constant 0 : i32
      %sign3A_491 = arith.cmpi sgt, %jit3A_478, %sign3A_490 : i32
      %sign3A_492 = arith.extui %sign3A_491 : i1 to i32
      %sign3A_493 = arith.constant 0 : i32
      %sign3A_494 = arith.cmpi slt, %jit3A_478, %sign3A_493 : i32
      %sign3A_495 = arith.extui %sign3A_494 : i1 to i32
      %sign3A_496 = arith.subi %sign3A_492, %sign3A_495 : i32
      %ne3A_497 = vector.broadcast %sign3A_496 : i32 to vector<520x832xi32>
      %ne3A_498 = arith.cmpi ne, %sign3A_489, %ne3A_497 : vector<520x832xi32>
      %rem3A_499 = vector.broadcast %jit3A_478 : i32 to vector<520x832xi32>
      %rem3A_500 = arith.remsi %iota3A_476, %rem3A_499 : vector<520x832xi32>
      %ne3A_501 = arith.constant 0 : i32
      %ne3A_502 = vector.broadcast %ne3A_501 : i32 to vector<520x832xi32>
      %ne3A_503 = arith.cmpi ne, %rem3A_500, %ne3A_502 : vector<520x832xi32>
      %and3A_504 = arith.andi %ne3A_498, %ne3A_503 : vector<520x832xi1>
      %sub3A_505 = arith.constant 1 : i32
      %sub3A_506 = vector.broadcast %sub3A_505 : i32 to vector<520x832xi32>
      %sub3A_507 = arith.subi %div3A_480, %sub3A_506 : vector<520x832xi32>
      %select_n3A_508 = arith.select %and3A_504, %sub3A_507, %div3A_480 : vector<520x832xi1>, vector<520x832xi32>
      %jit3A_509 = arith.constant 32 : i32
      %div3A_510 = vector.broadcast %jit3A_509 : i32 to vector<520x832xi32>
      %div3A_511 = arith.divsi %iota3A_477, %div3A_510 : vector<520x832xi32>
      %sign3A_512 = arith.constant 0 : i32
      %sign3A_513 = vector.broadcast %sign3A_512 : i32 to vector<520x832xi32>
      %sign3A_514 = arith.cmpi sgt, %iota3A_477, %sign3A_513 : vector<520x832xi32>
      %sign3A_515 = arith.extui %sign3A_514 : vector<520x832xi1> to vector<520x832xi32>
      %sign3A_516 = arith.constant 0 : i32
      %sign3A_517 = vector.broadcast %sign3A_516 : i32 to vector<520x832xi32>
      %sign3A_518 = arith.cmpi slt, %iota3A_477, %sign3A_517 : vector<520x832xi32>
      %sign3A_519 = arith.extui %sign3A_518 : vector<520x832xi1> to vector<520x832xi32>
      %sign3A_520 = arith.subi %sign3A_515, %sign3A_519 : vector<520x832xi32>
      %sign3A_521 = arith.constant 0 : i32
      %sign3A_522 = arith.cmpi sgt, %jit3A_509, %sign3A_521 : i32
      %sign3A_523 = arith.extui %sign3A_522 : i1 to i32
      %sign3A_524 = arith.constant 0 : i32
      %sign3A_525 = arith.cmpi slt, %jit3A_509, %sign3A_524 : i32
      %sign3A_526 = arith.extui %sign3A_525 : i1 to i32
      %sign3A_527 = arith.subi %sign3A_523, %sign3A_526 : i32
      %ne3A_528 = vector.broadcast %sign3A_527 : i32 to vector<520x832xi32>
      %ne3A_529 = arith.cmpi ne, %sign3A_520, %ne3A_528 : vector<520x832xi32>
      %rem3A_530 = vector.broadcast %jit3A_509 : i32 to vector<520x832xi32>
      %rem3A_531 = arith.remsi %iota3A_477, %rem3A_530 : vector<520x832xi32>
      %ne3A_532 = arith.constant 0 : i32
      %ne3A_533 = vector.broadcast %ne3A_532 : i32 to vector<520x832xi32>
      %ne3A_534 = arith.cmpi ne, %rem3A_531, %ne3A_533 : vector<520x832xi32>
      %and3A_535 = arith.andi %ne3A_529, %ne3A_534 : vector<520x832xi1>
      %sub3A_536 = arith.constant 1 : i32
      %sub3A_537 = vector.broadcast %sub3A_536 : i32 to vector<520x832xi32>
      %sub3A_538 = arith.subi %div3A_511, %sub3A_537 : vector<520x832xi32>
      %select_n3A_539 = arith.select %and3A_535, %sub3A_538, %div3A_511 : vector<520x832xi1>, vector<520x832xi32>
      %eq3A_540 = arith.cmpi eq, %select_n3A_508, %select_n3A_539 : vector<520x832xi32>
      %jit3A_541 = arith.constant 1.000000e+00 : f32
      %jit3A_542 = arith.constant 0.000000e+00 : f32
      %broadcast_in_dim3A_543 = vector.broadcast %jit3A_541 : f32 to vector<520x832xf32>
      %broadcast_in_dim3A_544 = vector.broadcast %jit3A_542 : f32 to vector<520x832xf32>
      %select_n3A_545 = arith.select %eq3A_540, %broadcast_in_dim3A_543, %broadcast_in_dim3A_544 : vector<520x832xi1>, vector<520x832xf32>
      %get3A_546 = arith.constant 0 : index
      %get3A_547 = arith.constant 0 : index
      %get3A_548 = vector.load %arg4[%get3A_546, %get3A_547] : memref<520x32xf32, #tpu.memory_space<vmem>>, vector<520x32xf32>
      %dot_general3A_549 = arith.constant dense<0.000000e+00> : vector<520x832xf32>
      %dot_general3A_550 = tpu.matmul %get3A_548, %select_n3A_475, %dot_general3A_549 {dimension_numbers = #tpu.dot_dimension_numbers<[1], [0], [0], [1], [0, 0, 1, 1], [], []>, transpose_lhs_hint = false} : vector<520x32xf32>, vector<32x832xf32>, vector<520x832xf32> -> vector<520x832xf32>
      %mul3A_551 = arith.mulf %dot_general3A_550, %select_n3A_545 : vector<520x832xf32>
      %get3A_552 = arith.constant 0 : index
      %get3A_553 = arith.constant 0 : index
      %get3A_554 = vector.load %arg5[%get3A_552, %get3A_553] : memref<832x416xf32, #tpu.memory_space<vmem>>, vector<832x416xf32>
      %dot_general3A_555 = arith.constant dense<0.000000e+00> : vector<520x416xf32>
      %dot_general3A_556 = tpu.matmul %mul3A_551, %get3A_554, %dot_general3A_555 {dimension_numbers = #tpu.dot_dimension_numbers<[1], [0], [0], [1], [0, 0, 1, 1], [], []>, transpose_lhs_hint = false} : vector<520x832xf32>, vector<832x416xf32>, vector<520x416xf32> -> vector<520x416xf32>
      %convert_element_type3A_557 = arith.truncf %dot_general3A_556 : vector<520x416xf32> to vector<520x416xbf16>
      %swap3A_558 = arith.constant 0 : index
      %swap3A_559 = arith.constant 0 : index
      %swap3A_560 = vector.load %arg12[%swap3A_558, %swap3A_559] : memref<520x416xbf16, #tpu.memory_space<vmem>>, vector<520x416xbf16>
      tpu.vector_store %arg12[%swap3A_558, %swap3A_559], %convert_element_type3A_557 {strides = array<i32>} : memref<520x416xbf16, #tpu.memory_space<vmem>>, vector<520x416xbf16>,
    } else {
    }
    %get3A = arith.constant 0 : index
    %get3A_2 = arith.constant 0 : index
    %get3A_3 = vector.load %arg3[%get3A, %get3A_2] : memref<4096x26xf32, #tpu.memory_space<vmem>>, vector<4096x26xf32>
    %get3A_4 = arith.constant 0 : index
    %get3A_5 = arith.constant 0 : index
    %get3A_6 = vector.load %arg10[%get3A_4, %get3A_5] : memref<2x26xf32, #tpu.memory_space<vmem>>, vector<1x26xf32>
    %get3A_7 = arith.constant 1 : index
    %get3A_8 = arith.constant 0 : index
    %get3A_9 = vector.load %arg10[%get3A_7, %get3A_8] : memref<2x26xf32, #tpu.memory_space<vmem>>, vector<1x26xf32>
    %broadcast_in_dim3A = arith.constant 0.000000e+00 : f32
    %broadcast_in_dim3A_10 = vector.broadcast %broadcast_in_dim3A : f32 to vector<4096x26xf32>
    %get3A_11 = arith.constant 0 : index
    %get3A_12 = arith.constant 1 : index
    %get3A_13 = vector.load %arg1[%get3A_11, %get3A_12] : memref<1x21xf32, #tpu.memory_space<vmem>>, vector<1x1xf32>
    %get3A_14 = vector.extract %get3A_13[0, 0] : f32 from vector<1x1xf32>
    %mul3A = vector.broadcast %get3A_14 : f32 to vector<1x26xf32>
    %mul3A_15 = arith.mulf %get3A_9, %mul3A : vector<1x26xf32>
    %add3A = arith.addf %get3A_6, %mul3A_15 : vector<1x26xf32>
    %lt3A = vector.broadcast %add3A : vector<1x26xf32> to vector<4096x26xf32>
    %lt3A_16 = arith.cmpf olt, %lt3A, %get3A_3 : vector<4096x26xf32>
    %jit3A = arith.constant 1.000000e+00 : f32
    %jit3A_17 = arith.constant 0.000000e+00 : f32
    %broadcast_in_dim3A_18 = vector.broadcast %jit3A : f32 to vector<4096x26xf32>
    %broadcast_in_dim3A_19 = vector.broadcast %jit3A_17 : f32 to vector<4096x26xf32>
    %select_n3A = arith.select %lt3A_16, %broadcast_in_dim3A_18, %broadcast_in_dim3A_19 : vector<4096x26xi1>, vector<4096x26xf32>
    %add3A_20 = arith.addf %broadcast_in_dim3A_10, %select_n3A : vector<4096x26xf32>
    %get3A_21 = arith.constant 0 : index
    %get3A_22 = arith.constant 2 : index
    %get3A_23 = vector.load %arg1[%get3A_21, %get3A_22] : memref<1x21xf32, #tpu.memory_space<vmem>>, vector<1x1xf32>
    %get3A_24 = vector.extract %get3A_23[0, 0] : f32 from vector<1x1xf32>
    %mul3A_25 = vector.broadcast %get3A_24 : f32 to vector<1x26xf32>
    %mul3A_26 = arith.mulf %get3A_9, %mul3A_25 : vector<1x26xf32>
    %add3A_27 = arith.addf %get3A_6, %mul3A_26 : vector<1x26xf32>
    %lt3A_28 = vector.broadcast %add3A_27 : vector<1x26xf32> to vector<4096x26xf32>
    %lt3A_29 = arith.cmpf olt, %lt3A_28, %get3A_3 : vector<4096x26xf32>
    %jit3A_30 = arith.constant 1.000000e+00 : f32
    %jit3A_31 = arith.constant 0.000000e+00 : f32
    %broadcast_in_dim3A_32 = vector.broadcast %jit3A_30 : f32 to vector<4096x26xf32>
    %broadcast_in_dim3A_33 = vector.broadcast %jit3A_31 : f32 to vector<4096x26xf32>
    %select_n3A_34 = arith.select %lt3A_29, %broadcast_in_dim3A_32, %broadcast_in_dim3A_33 : vector<4096x26xi1>, vector<4096x26xf32>
    %add3A_35 = arith.addf %add3A_20, %select_n3A_34 : vector<4096x26xf32>
    %get3A_36 = arith.constant 0 : index
    %get3A_37 = arith.constant 3 : index
    %get3A_38 = vector.load %arg1[%get3A_36, %get3A_37] : memref<1x21xf32, #tpu.memory_space<vmem>>, vector<1x1xf32>
    %get3A_39 = vector.extract %get3A_38[0, 0] : f32 from vector<1x1xf32>
    %mul3A_40 = vector.broadcast %get3A_39 : f32 to vector<1x26xf32>
    %mul3A_41 = arith.mulf %get3A_9, %mul3A_40 : vector<1x26xf32>
    %add3A_42 = arith.addf %get3A_6, %mul3A_41 : vector<1x26xf32>
    %lt3A_43 = vector.broadcast %add3A_42 : vector<1x26xf32> to vector<4096x26xf32>
    %lt3A_44 = arith.cmpf olt, %lt3A_43, %get3A_3 : vector<4096x26xf32>
    %jit3A_45 = arith.constant 1.000000e+00 : f32
    %jit3A_46 = arith.constant 0.000000e+00 : f32
    %broadcast_in_dim3A_47 = vector.broadcast %jit3A_45 : f32 to vector<4096x26xf32>
    %broadcast_in_dim3A_48 = vector.broadcast %jit3A_46 : f32 to vector<4096x26xf32>
    %select_n3A_49 = arith.select %lt3A_44, %broadcast_in_dim3A_47, %broadcast_in_dim3A_48 : vector<4096x26xi1>, vector<4096x26xf32>
    %add3A_50 = arith.addf %add3A_35, %select_n3A_49 : vector<4096x26xf32>
    %get3A_51 = arith.constant 0 : index
    %get3A_52 = arith.constant 4 : index
    %get3A_53 = vector.load %arg1[%get3A_51, %get3A_52] : memref<1x21xf32, #tpu.memory_space<vmem>>, vector<1x1xf32>
    %get3A_54 = vector.extract %get3A_53[0, 0] : f32 from vector<1x1xf32>
    %mul3A_55 = vector.broadcast %get3A_54 : f32 to vector<1x26xf32>
    %mul3A_56 = arith.mulf %get3A_9, %mul3A_55 : vector<1x26xf32>
    %add3A_57 = arith.addf %get3A_6, %mul3A_56 : vector<1x26xf32>
    %lt3A_58 = vector.broadcast %add3A_57 : vector<1x26xf32> to vector<4096x26xf32>
    %lt3A_59 = arith.cmpf olt, %lt3A_58, %get3A_3 : vector<4096x26xf32>
    %jit3A_60 = arith.constant 1.000000e+00 : f32
    %jit3A_61 = arith.constant 0.000000e+00 : f32
    %broadcast_in_dim3A_62 = vector.broadcast %jit3A_60 : f32 to vector<4096x26xf32>
    %broadcast_in_dim3A_63 = vector.broadcast %jit3A_61 : f32 to vector<4096x26xf32>
    %select_n3A_64 = arith.select %lt3A_59, %broadcast_in_dim3A_62, %broadcast_in_dim3A_63 : vector<4096x26xi1>, vector<4096x26xf32>
    %add3A_65 = arith.addf %add3A_50, %select_n3A_64 : vector<4096x26xf32>
    %get3A_66 = arith.constant 0 : index
    %get3A_67 = arith.constant 5 : index
    %get3A_68 = vector.load %arg1[%get3A_66, %get3A_67] : memref<1x21xf32, #tpu.memory_space<vmem>>, vector<1x1xf32>
    %get3A_69 = vector.extract %get3A_68[0, 0] : f32 from vector<1x1xf32>
    %mul3A_70 = vector.broadcast %get3A_69 : f32 to vector<1x26xf32>
    %mul3A_71 = arith.mulf %get3A_9, %mul3A_70 : vector<1x26xf32>
    %add3A_72 = arith.addf %get3A_6, %mul3A_71 : vector<1x26xf32>
    %lt3A_73 = vector.broadcast %add3A_72 : vector<1x26xf32> to vector<4096x26xf32>
    %lt3A_74 = arith.cmpf olt, %lt3A_73, %get3A_3 : vector<4096x26xf32>
    %jit3A_75 = arith.constant 1.000000e+00 : f32
    %jit3A_76 = arith.constant 0.000000e+00 : f32
    %broadcast_in_dim3A_77 = vector.broadcast %jit3A_75 : f32 to vector<4096x26xf32>
    %broadcast_in_dim3A_78 = vector.broadcast %jit3A_76 : f32 to vector<4096x26xf32>
    %select_n3A_79 = arith.select %lt3A_74, %broadcast_in_dim3A_77, %broadcast_in_dim3A_78 : vector<4096x26xi1>, vector<4096x26xf32>
    %add3A_80 = arith.addf %add3A_65, %select_n3A_79 : vector<4096x26xf32>
    %get3A_81 = arith.constant 0 : index
    %get3A_82 = arith.constant 6 : index
    %get3A_83 = vector.load %arg1[%get3A_81, %get3A_82] : memref<1x21xf32, #tpu.memory_space<vmem>>, vector<1x1xf32>
    %get3A_84 = vector.extract %get3A_83[0, 0] : f32 from vector<1x1xf32>
    %mul3A_85 = vector.broadcast %get3A_84 : f32 to vector<1x26xf32>
    %mul3A_86 = arith.mulf %get3A_9, %mul3A_85 : vector<1x26xf32>
    %add3A_87 = arith.addf %get3A_6, %mul3A_86 : vector<1x26xf32>
    %lt3A_88 = vector.broadcast %add3A_87 : vector<1x26xf32> to vector<4096x26xf32>
    %lt3A_89 = arith.cmpf olt, %lt3A_88, %get3A_3 : vector<4096x26xf32>
    %jit3A_90 = arith.constant 1.000000e+00 : f32
    %jit3A_91 = arith.constant 0.000000e+00 : f32
    %broadcast_in_dim3A_92 = vector.broadcast %jit3A_90 : f32 to vector<4096x26xf32>
    %broadcast_in_dim3A_93 = vector.broadcast %jit3A_91 : f32 to vector<4096x26xf32>
    %select_n3A_94 = arith.select %lt3A_89, %broadcast_in_dim3A_92, %broadcast_in_dim3A_93 : vector<4096x26xi1>, vector<4096x26xf32>
    %add3A_95 = arith.addf %add3A_80, %select_n3A_94 : vector<4096x26xf32>
    %get3A_96 = arith.constant 0 : index
    %get3A_97 = arith.constant 7 : index
    %get3A_98 = vector.load %arg1[%get3A_96, %get3A_97] : memref<1x21xf32, #tpu.memory_space<vmem>>, vector<1x1xf32>
    %get3A_99 = vector.extract %get3A_98[0, 0] : f32 from vector<1x1xf32>
    %mul3A_100 = vector.broadcast %get3A_99 : f32 to vector<1x26xf32>
    %mul3A_101 = arith.mulf %get3A_9, %mul3A_100 : vector<1x26xf32>
    %add3A_102 = arith.addf %get3A_6, %mul3A_101 : vector<1x26xf32>
    %lt3A_103 = vector.broadcast %add3A_102 : vector<1x26xf32> to vector<4096x26xf32>
    %lt3A_104 = arith.cmpf olt, %lt3A_103, %get3A_3 : vector<4096x26xf32>
    %jit3A_105 = arith.constant 1.000000e+00 : f32
    %jit3A_106 = arith.constant 0.000000e+00 : f32
    %broadcast_in_dim3A_107 = vector.broadcast %jit3A_105 : f32 to vector<4096x26xf32>
    %broadcast_in_dim3A_108 = vector.broadcast %jit3A_106 : f32 to vector<4096x26xf32>
    %select_n3A_109 = arith.select %lt3A_104, %broadcast_in_dim3A_107, %broadcast_in_dim3A_108 : vector<4096x26xi1>, vector<4096x26xf32>
    %add3A_110 = arith.addf %add3A_95, %select_n3A_109 : vector<4096x26xf32>
    %get3A_111 = arith.constant 0 : index
    %get3A_112 = arith.constant 8 : index
    %get3A_113 = vector.load %arg1[%get3A_111, %get3A_112] : memref<1x21xf32, #tpu.memory_space<vmem>>, vector<1x1xf32>
    %get3A_114 = vector.extract %get3A_113[0, 0] : f32 from vector<1x1xf32>
    %mul3A_115 = vector.broadcast %get3A_114 : f32 to vector<1x26xf32>
    %mul3A_116 = arith.mulf %get3A_9, %mul3A_115 : vector<1x26xf32>
    %add3A_117 = arith.addf %get3A_6, %mul3A_116 : vector<1x26xf32>
    %lt3A_118 = vector.broadcast %add3A_117 : vector<1x26xf32> to vector<4096x26xf32>
    %lt3A_119 = arith.cmpf olt, %lt3A_118, %get3A_3 : vector<4096x26xf32>
    %jit3A_120 = arith.constant 1.000000e+00 : f32
    %jit3A_121 = arith.constant 0.000000e+00 : f32
    %broadcast_in_dim3A_122 = vector.broadcast %jit3A_120 : f32 to vector<4096x26xf32>
    %broadcast_in_dim3A_123 = vector.broadcast %jit3A_121 : f32 to vector<4096x26xf32>
    %select_n3A_124 = arith.select %lt3A_119, %broadcast_in_dim3A_122, %broadcast_in_dim3A_123 : vector<4096x26xi1>, vector<4096x26xf32>
    %add3A_125 = arith.addf %add3A_110, %select_n3A_124 : vector<4096x26xf32>
    %get3A_126 = arith.constant 0 : index
    %get3A_127 = arith.constant 9 : index
    %get3A_128 = vector.load %arg1[%get3A_126, %get3A_127] : memref<1x21xf32, #tpu.memory_space<vmem>>, vector<1x1xf32>
    %get3A_129 = vector.extract %get3A_128[0, 0] : f32 from vector<1x1xf32>
    %mul3A_130 = vector.broadcast %get3A_129 : f32 to vector<1x26xf32>
    %mul3A_131 = arith.mulf %get3A_9, %mul3A_130 : vector<1x26xf32>
    %add3A_132 = arith.addf %get3A_6, %mul3A_131 : vector<1x26xf32>
    %lt3A_133 = vector.broadcast %add3A_132 : vector<1x26xf32> to vector<4096x26xf32>
    %lt3A_134 = arith.cmpf olt, %lt3A_133, %get3A_3 : vector<4096x26xf32>
    %jit3A_135 = arith.constant 1.000000e+00 : f32
    %jit3A_136 = arith.constant 0.000000e+00 : f32
    %broadcast_in_dim3A_137 = vector.broadcast %jit3A_135 : f32 to vector<4096x26xf32>
    %broadcast_in_dim3A_138 = vector.broadcast %jit3A_136 : f32 to vector<4096x26xf32>
    %select_n3A_139 = arith.select %lt3A_134, %broadcast_in_dim3A_137, %broadcast_in_dim3A_138 : vector<4096x26xi1>, vector<4096x26xf32>
    %add3A_140 = arith.addf %add3A_125, %select_n3A_139 : vector<4096x26xf32>
    %get3A_141 = arith.constant 0 : index
    %get3A_142 = arith.constant 10 : index
    %get3A_143 = vector.load %arg1[%get3A_141, %get3A_142] : memref<1x21xf32, #tpu.memory_space<vmem>>, vector<1x1xf32>
    %get3A_144 = vector.extract %get3A_143[0, 0] : f32 from vector<1x1xf32>
    %mul3A_145 = vector.broadcast %get3A_144 : f32 to vector<1x26xf32>
    %mul3A_146 = arith.mulf %get3A_9, %mul3A_145 : vector<1x26xf32>
    %add3A_147 = arith.addf %get3A_6, %mul3A_146 : vector<1x26xf32>
    %lt3A_148 = vector.broadcast %add3A_147 : vector<1x26xf32> to vector<4096x26xf32>
    %lt3A_149 = arith.cmpf olt, %lt3A_148, %get3A_3 : vector<4096x26xf32>
    %jit3A_150 = arith.constant 1.000000e+00 : f32
    %jit3A_151 = arith.constant 0.000000e+00 : f32
    %broadcast_in_dim3A_152 = vector.broadcast %jit3A_150 : f32 to vector<4096x26xf32>
    %broadcast_in_dim3A_153 = vector.broadcast %jit3A_151 : f32 to vector<4096x26xf32>
    %select_n3A_154 = arith.select %lt3A_149, %broadcast_in_dim3A_152, %broadcast_in_dim3A_153 : vector<4096x26xi1>, vector<4096x26xf32>
    %add3A_155 = arith.addf %add3A_140, %select_n3A_154 : vector<4096x26xf32>
    %get3A_156 = arith.constant 0 : index
    %get3A_157 = arith.constant 11 : index
    %get3A_158 = vector.load %arg1[%get3A_156, %get3A_157] : memref<1x21xf32, #tpu.memory_space<vmem>>, vector<1x1xf32>
    %get3A_159 = vector.extract %get3A_158[0, 0] : f32 from vector<1x1xf32>
    %mul3A_160 = vector.broadcast %get3A_159 : f32 to vector<1x26xf32>
    %mul3A_161 = arith.mulf %get3A_9, %mul3A_160 : vector<1x26xf32>
    %add3A_162 = arith.addf %get3A_6, %mul3A_161 : vector<1x26xf32>
    %lt3A_163 = vector.broadcast %add3A_162 : vector<1x26xf32> to vector<4096x26xf32>
    %lt3A_164 = arith.cmpf olt, %lt3A_163, %get3A_3 : vector<4096x26xf32>
    %jit3A_165 = arith.constant 1.000000e+00 : f32
    %jit3A_166 = arith.constant 0.000000e+00 : f32
    %broadcast_in_dim3A_167 = vector.broadcast %jit3A_165 : f32 to vector<4096x26xf32>
    %broadcast_in_dim3A_168 = vector.broadcast %jit3A_166 : f32 to vector<4096x26xf32>
    %select_n3A_169 = arith.select %lt3A_164, %broadcast_in_dim3A_167, %broadcast_in_dim3A_168 : vector<4096x26xi1>, vector<4096x26xf32>
    %add3A_170 = arith.addf %add3A_155, %select_n3A_169 : vector<4096x26xf32>
    %get3A_171 = arith.constant 0 : index
    %get3A_172 = arith.constant 12 : index
    %get3A_173 = vector.load %arg1[%get3A_171, %get3A_172] : memref<1x21xf32, #tpu.memory_space<vmem>>, vector<1x1xf32>
    %get3A_174 = vector.extract %get3A_173[0, 0] : f32 from vector<1x1xf32>
    %mul3A_175 = vector.broadcast %get3A_174 : f32 to vector<1x26xf32>
    %mul3A_176 = arith.mulf %get3A_9, %mul3A_175 : vector<1x26xf32>
    %add3A_177 = arith.addf %get3A_6, %mul3A_176 : vector<1x26xf32>
    %lt3A_178 = vector.broadcast %add3A_177 : vector<1x26xf32> to vector<4096x26xf32>
    %lt3A_179 = arith.cmpf olt, %lt3A_178, %get3A_3 : vector<4096x26xf32>
    %jit3A_180 = arith.constant 1.000000e+00 : f32
    %jit3A_181 = arith.constant 0.000000e+00 : f32
    %broadcast_in_dim3A_182 = vector.broadcast %jit3A_180 : f32 to vector<4096x26xf32>
    %broadcast_in_dim3A_183 = vector.broadcast %jit3A_181 : f32 to vector<4096x26xf32>
    %select_n3A_184 = arith.select %lt3A_179, %broadcast_in_dim3A_182, %broadcast_in_dim3A_183 : vector<4096x26xi1>, vector<4096x26xf32>
    %add3A_185 = arith.addf %add3A_170, %select_n3A_184 : vector<4096x26xf32>
    %get3A_186 = arith.constant 0 : index
    %get3A_187 = arith.constant 13 : index
    %get3A_188 = vector.load %arg1[%get3A_186, %get3A_187] : memref<1x21xf32, #tpu.memory_space<vmem>>, vector<1x1xf32>
    %get3A_189 = vector.extract %get3A_188[0, 0] : f32 from vector<1x1xf32>
    %mul3A_190 = vector.broadcast %get3A_189 : f32 to vector<1x26xf32>
    %mul3A_191 = arith.mulf %get3A_9, %mul3A_190 : vector<1x26xf32>
    %add3A_192 = arith.addf %get3A_6, %mul3A_191 : vector<1x26xf32>
    %lt3A_193 = vector.broadcast %add3A_192 : vector<1x26xf32> to vector<4096x26xf32>
    %lt3A_194 = arith.cmpf olt, %lt3A_193, %get3A_3 : vector<4096x26xf32>
    %jit3A_195 = arith.constant 1.000000e+00 : f32
    %jit3A_196 = arith.constant 0.000000e+00 : f32
    %broadcast_in_dim3A_197 = vector.broadcast %jit3A_195 : f32 to vector<4096x26xf32>
    %broadcast_in_dim3A_198 = vector.broadcast %jit3A_196 : f32 to vector<4096x26xf32>
    %select_n3A_199 = arith.select %lt3A_194, %broadcast_in_dim3A_197, %broadcast_in_dim3A_198 : vector<4096x26xi1>, vector<4096x26xf32>
    %add3A_200 = arith.addf %add3A_185, %select_n3A_199 : vector<4096x26xf32>
    %get3A_201 = arith.constant 0 : index
    %get3A_202 = arith.constant 14 : index
    %get3A_203 = vector.load %arg1[%get3A_201, %get3A_202] : memref<1x21xf32, #tpu.memory_space<vmem>>, vector<1x1xf32>
    %get3A_204 = vector.extract %get3A_203[0, 0] : f32 from vector<1x1xf32>
    %mul3A_205 = vector.broadcast %get3A_204 : f32 to vector<1x26xf32>
    %mul3A_206 = arith.mulf %get3A_9, %mul3A_205 : vector<1x26xf32>
    %add3A_207 = arith.addf %get3A_6, %mul3A_206 : vector<1x26xf32>
    %lt3A_208 = vector.broadcast %add3A_207 : vector<1x26xf32> to vector<4096x26xf32>
    %lt3A_209 = arith.cmpf olt, %lt3A_208, %get3A_3 : vector<4096x26xf32>
    %jit3A_210 = arith.constant 1.000000e+00 : f32
    %jit3A_211 = arith.constant 0.000000e+00 : f32
    %broadcast_in_dim3A_212 = vector.broadcast %jit3A_210 : f32 to vector<4096x26xf32>
    %broadcast_in_dim3A_213 = vector.broadcast %jit3A_211 : f32 to vector<4096x26xf32>
    %select_n3A_214 = arith.select %lt3A_209, %broadcast_in_dim3A_212, %broadcast_in_dim3A_213 : vector<4096x26xi1>, vector<4096x26xf32>
    %add3A_215 = arith.addf %add3A_200, %select_n3A_214 : vector<4096x26xf32>
    %get3A_216 = arith.constant 0 : index
    %get3A_217 = arith.constant 15 : index
    %get3A_218 = vector.load %arg1[%get3A_216, %get3A_217] : memref<1x21xf32, #tpu.memory_space<vmem>>, vector<1x1xf32>
    %get3A_219 = vector.extract %get3A_218[0, 0] : f32 from vector<1x1xf32>
    %mul3A_220 = vector.broadcast %get3A_219 : f32 to vector<1x26xf32>
    %mul3A_221 = arith.mulf %get3A_9, %mul3A_220 : vector<1x26xf32>
    %add3A_222 = arith.addf %get3A_6, %mul3A_221 : vector<1x26xf32>
    %lt3A_223 = vector.broadcast %add3A_222 : vector<1x26xf32> to vector<4096x26xf32>
    %lt3A_224 = arith.cmpf olt, %lt3A_223, %get3A_3 : vector<4096x26xf32>
    %jit3A_225 = arith.constant 1.000000e+00 : f32
    %jit3A_226 = arith.constant 0.000000e+00 : f32
    %broadcast_in_dim3A_227 = vector.broadcast %jit3A_225 : f32 to vector<4096x26xf32>
    %broadcast_in_dim3A_228 = vector.broadcast %jit3A_226 : f32 to vector<4096x26xf32>
    %select_n3A_229 = arith.select %lt3A_224, %broadcast_in_dim3A_227, %broadcast_in_dim3A_228 : vector<4096x26xi1>, vector<4096x26xf32>
    %add3A_230 = arith.addf %add3A_215, %select_n3A_229 : vector<4096x26xf32>
    %get3A_231 = arith.constant 0 : index
    %get3A_232 = arith.constant 16 : index
    %get3A_233 = vector.load %arg1[%get3A_231, %get3A_232] : memref<1x21xf32, #tpu.memory_space<vmem>>, vector<1x1xf32>
    %get3A_234 = vector.extract %get3A_233[0, 0] : f32 from vector<1x1xf32>
    %mul3A_235 = vector.broadcast %get3A_234 : f32 to vector<1x26xf32>
    %mul3A_236 = arith.mulf %get3A_9, %mul3A_235 : vector<1x26xf32>
    %add3A_237 = arith.addf %get3A_6, %mul3A_236 : vector<1x26xf32>
    %lt3A_238 = vector.broadcast %add3A_237 : vector<1x26xf32> to vector<4096x26xf32>
    %lt3A_239 = arith.cmpf olt, %lt3A_238, %get3A_3 : vector<4096x26xf32>
    %jit3A_240 = arith.constant 1.000000e+00 : f32
    %jit3A_241 = arith.constant 0.000000e+00 : f32
    %broadcast_in_dim3A_242 = vector.broadcast %jit3A_240 : f32 to vector<4096x26xf32>
    %broadcast_in_dim3A_243 = vector.broadcast %jit3A_241 : f32 to vector<4096x26xf32>
    %select_n3A_244 = arith.select %lt3A_239, %broadcast_in_dim3A_242, %broadcast_in_dim3A_243 : vector<4096x26xi1>, vector<4096x26xf32>
    %add3A_245 = arith.addf %add3A_230, %select_n3A_244 : vector<4096x26xf32>
    %get3A_246 = arith.constant 0 : index
    %get3A_247 = arith.constant 17 : index
    %get3A_248 = vector.load %arg1[%get3A_246, %get3A_247] : memref<1x21xf32, #tpu.memory_space<vmem>>, vector<1x1xf32>
    %get3A_249 = vector.extract %get3A_248[0, 0] : f32 from vector<1x1xf32>
    %mul3A_250 = vector.broadcast %get3A_249 : f32 to vector<1x26xf32>
    %mul3A_251 = arith.mulf %get3A_9, %mul3A_250 : vector<1x26xf32>
    %add3A_252 = arith.addf %get3A_6, %mul3A_251 : vector<1x26xf32>
    %lt3A_253 = vector.broadcast %add3A_252 : vector<1x26xf32> to vector<4096x26xf32>
    %lt3A_254 = arith.cmpf olt, %lt3A_253, %get3A_3 : vector<4096x26xf32>
    %jit3A_255 = arith.constant 1.000000e+00 : f32
    %jit3A_256 = arith.constant 0.000000e+00 : f32
    %broadcast_in_dim3A_257 = vector.broadcast %jit3A_255 : f32 to vector<4096x26xf32>
    %broadcast_in_dim3A_258 = vector.broadcast %jit3A_256 : f32 to vector<4096x26xf32>
    %select_n3A_259 = arith.select %lt3A_254, %broadcast_in_dim3A_257, %broadcast_in_dim3A_258 : vector<4096x26xi1>, vector<4096x26xf32>
    %add3A_260 = arith.addf %add3A_245, %select_n3A_259 : vector<4096x26xf32>
    %get3A_261 = arith.constant 0 : index
    %get3A_262 = arith.constant 18 : index
    %get3A_263 = vector.load %arg1[%get3A_261, %get3A_262] : memref<1x21xf32, #tpu.memory_space<vmem>>, vector<1x1xf32>
    %get3A_264 = vector.extract %get3A_263[0, 0] : f32 from vector<1x1xf32>
    %mul3A_265 = vector.broadcast %get3A_264 : f32 to vector<1x26xf32>
    %mul3A_266 = arith.mulf %get3A_9, %mul3A_265 : vector<1x26xf32>
    %add3A_267 = arith.addf %get3A_6, %mul3A_266 : vector<1x26xf32>
    %lt3A_268 = vector.broadcast %add3A_267 : vector<1x26xf32> to vector<4096x26xf32>
    %lt3A_269 = arith.cmpf olt, %lt3A_268, %get3A_3 : vector<4096x26xf32>
    %jit3A_270 = arith.constant 1.000000e+00 : f32
    %jit3A_271 = arith.constant 0.000000e+00 : f32
    %broadcast_in_dim3A_272 = vector.broadcast %jit3A_270 : f32 to vector<4096x26xf32>
    %broadcast_in_dim3A_273 = vector.broadcast %jit3A_271 : f32 to vector<4096x26xf32>
    %select_n3A_274 = arith.select %lt3A_269, %broadcast_in_dim3A_272, %broadcast_in_dim3A_273 : vector<4096x26xi1>, vector<4096x26xf32>
    %add3A_275 = arith.addf %add3A_260, %select_n3A_274 : vector<4096x26xf32>
    %get3A_276 = arith.constant 0 : index
    %get3A_277 = arith.constant 19 : index
    %get3A_278 = vector.load %arg1[%get3A_276, %get3A_277] : memref<1x21xf32, #tpu.memory_space<vmem>>, vector<1x1xf32>
    %get3A_279 = vector.extract %get3A_278[0, 0] : f32 from vector<1x1xf32>
    %mul3A_280 = vector.broadcast %get3A_279 : f32 to vector<1x26xf32>
    %mul3A_281 = arith.mulf %get3A_9, %mul3A_280 : vector<1x26xf32>
    %add3A_282 = arith.addf %get3A_6, %mul3A_281 : vector<1x26xf32>
    %lt3A_283 = vector.broadcast %add3A_282 : vector<1x26xf32> to vector<4096x26xf32>
    %lt3A_284 = arith.cmpf olt, %lt3A_283, %get3A_3 : vector<4096x26xf32>
    %jit3A_285 = arith.constant 1.000000e+00 : f32
    %jit3A_286 = arith.constant 0.000000e+00 : f32
    %broadcast_in_dim3A_287 = vector.broadcast %jit3A_285 : f32 to vector<4096x26xf32>
    %broadcast_in_dim3A_288 = vector.broadcast %jit3A_286 : f32 to vector<4096x26xf32>
    %select_n3A_289 = arith.select %lt3A_284, %broadcast_in_dim3A_287, %broadcast_in_dim3A_288 : vector<4096x26xi1>, vector<4096x26xf32>
    %add3A_290 = arith.addf %add3A_275, %select_n3A_289 : vector<4096x26xf32>
    %get3A_291 = arith.constant 0 : index
    %get3A_292 = arith.constant 20 : index
    %get3A_293 = vector.load %arg1[%get3A_291, %get3A_292] : memref<1x21xf32, #tpu.memory_space<vmem>>, vector<1x1xf32>
    %get3A_294 = vector.extract %get3A_293[0, 0] : f32 from vector<1x1xf32>
    %mul3A_295 = vector.broadcast %get3A_294 : f32 to vector<1x26xf32>
    %mul3A_296 = arith.mulf %get3A_9, %mul3A_295 : vector<1x26xf32>
    %add3A_297 = arith.addf %get3A_6, %mul3A_296 : vector<1x26xf32>
    %lt3A_298 = vector.broadcast %add3A_297 : vector<1x26xf32> to vector<4096x26xf32>
    %lt3A_299 = arith.cmpf olt, %lt3A_298, %get3A_3 : vector<4096x26xf32>
    %jit3A_300 = arith.constant 1.000000e+00 : f32
    %jit3A_301 = arith.constant 0.000000e+00 : f32
    %broadcast_in_dim3A_302 = vector.broadcast %jit3A_300 : f32 to vector<4096x26xf32>
    %broadcast_in_dim3A_303 = vector.broadcast %jit3A_301 : f32 to vector<4096x26xf32>
    %select_n3A_304 = arith.select %lt3A_299, %broadcast_in_dim3A_302, %broadcast_in_dim3A_303 : vector<4096x26xi1>, vector<4096x26xf32>
    %add3A_305 = arith.addf %add3A_290, %select_n3A_304 : vector<4096x26xf32>
    %min3A = arith.constant 1.900000e+01 : f32
    %min3A_306 = vector.broadcast %min3A : f32 to vector<4096x26xf32>
    %min3A_307 = arith.minimumf %add3A_305, %min3A_306 : vector<4096x26xf32>
    %convert_element_type3A_308 = arith.truncf %min3A_307 : vector<4096x26xf32> to vector<4096x26xbf16>
    %get3A_309 = arith.constant 0 : index
    %get3A_310 = arith.constant 0 : index
    %get3A_311 = vector.load %arg11[%get3A_309, %get3A_310] : memref<26x520xbf16, #tpu.memory_space<vmem>>, vector<26x520xbf16>
    %dot_general3A = arith.constant dense<0.000000e+00> : vector<4096x520xf32>
    %dot_general3A_312 = tpu.matmul %convert_element_type3A_308, %get3A_311, %dot_general3A {dimension_numbers = #tpu.dot_dimension_numbers<[1], [0], [0], [1], [0, 0, 1, 1], [], []>, transpose_lhs_hint = false} : vector<4096x26xbf16>, vector<26x520xbf16>, vector<4096x520xf32> -> vector<4096x520xf32>
    %iota3A = tpu.iota {dimensions = array<i32: 1>} : vector<1x520xi32>
    %jit3A_313 = arith.constant 20 : i32
    %eq3A_314 = arith.constant 0 : i32
    %eq3A_315 = arith.cmpi eq, %jit3A_313, %eq3A_314 : i32
    %jit3A_316 = arith.constant 1 : i32
    %select_n3A_317 = arith.select %eq3A_315, %jit3A_316, %jit3A_313 : i32
    %rem3A = vector.broadcast %select_n3A_317 : i32 to vector<1x520xi32>
    %rem3A_318 = arith.remsi %iota3A, %rem3A : vector<1x520xi32>
    %ne3A = arith.constant 0 : i32
    %ne3A_319 = vector.broadcast %ne3A : i32 to vector<1x520xi32>
    %ne3A_320 = arith.cmpi ne, %rem3A_318, %ne3A_319 : vector<1x520xi32>
    %lt3A_321 = arith.constant 0 : i32
    %lt3A_322 = vector.broadcast %lt3A_321 : i32 to vector<1x520xi32>
    %lt3A_323 = arith.cmpi slt, %rem3A_318, %lt3A_322 : vector<1x520xi32>
    %lt3A_324 = arith.constant 0 : i32
    %lt3A_325 = arith.cmpi slt, %select_n3A_317, %lt3A_324 : i32
    %ne3A_326 = vector.broadcast %lt3A_325 : i1 to vector<1x520xi1>
    %ne3A_327 = vector.broadcast %ne3A_326 : vector<1x520xi1> to vector<1x520xi1>
    %ne3A_328 = arith.xori %lt3A_323, %ne3A_327 : vector<1x520xi1>
    %and3A = arith.andi %ne3A_328, %ne3A_320 : vector<1x520xi1>
    %add3A_329 = vector.broadcast %select_n3A_317 : i32 to vector<1x520xi32>
    %add3A_330 = arith.addi %rem3A_318, %add3A_329 : vector<1x520xi32>
    %select_n3A_331 = arith.select %and3A, %add3A_330, %rem3A_318 : vector<1x520xi1>, vector<1x520xi32>
    %convert_element_type3A_332 = arith.sitofp %select_n3A_331 : vector<1x520xi32> to vector<1x520xf32>
    %eq3A_333 = vector.broadcast %convert_element_type3A_332 : vector<1x520xf32> to vector<4096x520xf32>
    %eq3A_334 = arith.cmpf oeq, %dot_general3A_312, %eq3A_333 : vector<4096x520xf32>
    %jit3A_335 = arith.constant 1.000000e+00 : f32
    %jit3A_336 = arith.constant 0.000000e+00 : f32
    %broadcast_in_dim3A_337 = vector.broadcast %jit3A_335 : f32 to vector<4096x520xf32>
    %broadcast_in_dim3A_338 = vector.broadcast %jit3A_336 : f32 to vector<4096x520xf32>
    %select_n3A_339 = arith.select %eq3A_334, %broadcast_in_dim3A_337, %broadcast_in_dim3A_338 : vector<4096x520xi1>, vector<4096x520xf32>
    %convert_element_type3A_340 = arith.truncf %select_n3A_339 : vector<4096x520xf32> to vector<4096x520xbf16>
    %get3A_341 = arith.constant 0 : index
    %get3A_342 = arith.constant 0 : index
    %get3A_343 = vector.load %arg12[%get3A_341, %get3A_342] : memref<520x416xbf16, #tpu.memory_space<vmem>>, vector<520x416xbf16>
    %dot_general3A_344 = arith.constant dense<0.000000e+00> : vector<4096x416xf32>
    %dot_general3A_345 = tpu.matmul %convert_element_type3A_340, %get3A_343, %dot_general3A_344 {dimension_numbers = #tpu.dot_dimension_numbers<[1], [0], [0], [1], [0, 0, 1, 1], [], []>, transpose_lhs_hint = false} : vector<4096x520xbf16>, vector<520x416xbf16>, vector<4096x416xf32> -> vector<4096x416xf32>
    %get3A_346 = arith.constant 0 : index
    %get3A_347 = arith.constant 0 : index
    %get3A_348 = vector.load %arg6[%get3A_346, %get3A_347] : memref<1x416xf32, #tpu.memory_space<vmem>>, vector<1x416xf32>
    %add3A_349 = vector.broadcast %get3A_348 : vector<1x416xf32> to vector<4096x416xf32>
    %add3A_350 = arith.addf %dot_general3A_345, %add3A_349 : vector<4096x416xf32>
    %mul3A_351 = arith.constant 5.000000e-01 : f32
    %mul3A_352 = vector.broadcast %mul3A_351 : f32 to vector<4096x416xf32>
    %mul3A_353 = arith.mulf %mul3A_352, %add3A_350 : vector<4096x416xf32>
    %mul3A_354 = arith.constant 0.707106769 : f32
    %mul3A_355 = vector.broadcast %mul3A_354 : f32 to vector<4096x416xf32>
    %mul3A_356 = arith.mulf %add3A_350, %mul3A_355 : vector<4096x416xf32>
    %erf3A = math.erf %mul3A_356 : vector<4096x416xf32>
    %add3A_357 = arith.constant 1.000000e+00 : f32
    %add3A_358 = vector.broadcast %add3A_357 : f32 to vector<4096x416xf32>
    %add3A_359 = arith.addf %add3A_358, %erf3A : vector<4096x416xf32>
    %mul3A_360 = arith.mulf %mul3A_353, %add3A_359 : vector<4096x416xf32>
    %convert_element_type3A_361 = arith.truncf %mul3A_360 : vector<4096x416xf32> to vector<4096x416xbf16>
    %get3A_362 = arith.constant 0 : index
    %get3A_363 = arith.constant 0 : index
    %get3A_364 = vector.load %arg7[%get3A_362, %get3A_363] : memref<416x128xf32, #tpu.memory_space<vmem>>, vector<416x128xf32>
    %dot_general3A_365 = arith.constant dense<0.000000e+00> : vector<4096x128xf32>
    %dot_general3A_366 = tpu.matmul %convert_element_type3A_361, %get3A_364, %dot_general3A_365 {dimension_numbers = #tpu.dot_dimension_numbers<[1], [0], [0], [1], [0, 0, 1, 1], [], []>, transpose_lhs_hint = false} : vector<4096x416xbf16>, vector<416x128xf32>, vector<4096x128xf32> -> vector<4096x128xf32>
    %get3A_367 = arith.constant 0 : index
    %get3A_368 = arith.constant 0 : index
    %get3A_369 = vector.load %arg8[%get3A_367, %get3A_368] : memref<1x128xf32, #tpu.memory_space<vmem>>, vector<1x128xf32>
    %add3A_370 = vector.broadcast %get3A_369 : vector<1x128xf32> to vector<4096x128xf32>
    %add3A_371 = arith.addf %dot_general3A_366, %add3A_370 : vector<4096x128xf32>
    %mul3A_372 = arith.constant 5.000000e-01 : f32
    %mul3A_373 = vector.broadcast %mul3A_372 : f32 to vector<4096x128xf32>
    %mul3A_374 = arith.mulf %mul3A_373, %add3A_371 : vector<4096x128xf32>
    %mul3A_375 = arith.constant 0.707106769 : f32
    %mul3A_376 = vector.broadcast %mul3A_375 : f32 to vector<4096x128xf32>
    %mul3A_377 = arith.mulf %add3A_371, %mul3A_376 : vector<4096x128xf32>
    %erf3A_378 = math.erf %mul3A_377 : vector<4096x128xf32>
    %add3A_379 = arith.constant 1.000000e+00 : f32
    %add3A_380 = vector.broadcast %add3A_379 : f32 to vector<4096x128xf32>
    %add3A_381 = arith.addf %add3A_380, %erf3A_378 : vector<4096x128xf32>
    %mul3A_382 = arith.mulf %mul3A_374, %add3A_381 : vector<4096x128xf32>
    %swap3A = arith.constant 0 : index
    %swap3A_383 = arith.constant 0 : index
    %swap3A_384 = vector.load %arg9[%swap3A, %swap3A_383] : memref<4096x128xf32, #tpu.memory_space<vmem>>, vector<4096x128xf32>
    tpu.vector_store %arg9[%swap3A, %swap3A_383], %mul3A_382 {strides = array<i32>} : memref<4096x128xf32, #tpu.memory_space<vmem>>, vector<4096x128xf32>,
    return
  }
  func.func @transform_0(%arg0: i32) -> (i32, i32) {
    %c0_i32 = arith.constant 0 : i32
    %c0_i32_0 = arith.constant 0 : i32
    %c0_i32_1 = arith.constant 0 : i32
    return %c0_i32, %c0_i32_0 : i32, i32
  }
  func.func @transform_1(%arg0: i32) -> (i32, i32) {
    %c0_i32 = arith.constant 0 : i32
    %c0_i32_0 = arith.constant 0 : i32
    %c0_i32_1 = arith.constant 0 : i32
    return %c0_i32, %c0_i32_0 : i32, i32
  }
  func.func @transform_2(%arg0: i32) -> (i32, i32) {
    %c0_i32 = arith.constant 0 : i32
    %c0_i32_0 = arith.constant 0 : i32
    return %arg0, %c0_i32 : i32, i32
  }
  func.func @transform_3(%arg0: i32) -> (i32, i32) {
    %c0_i32 = arith.constant 0 : i32
    %c0_i32_0 = arith.constant 0 : i32
    %c0_i32_1 = arith.constant 0 : i32
    return %c0_i32, %c0_i32_0 : i32, i32
  }
  func.func @transform_4(%arg0: i32) -> (i32, i32) {
    %c0_i32 = arith.constant 0 : i32
    %c0_i32_0 = arith.constant 0 : i32
    %c0_i32_1 = arith.constant 0 : i32
    return %c0_i32, %c0_i32_0 : i32, i32
  }
  func.func @transform_5(%arg0: i32) -> (i32, i32) {
    %c0_i32 = arith.constant 0 : i32
    %c0_i32_0 = arith.constant 0 : i32
    %c0_i32_1 = arith.constant 0 : i32
    return %c0_i32, %c0_i32_0 : i32, i32
  }
  func.func @transform_6(%arg0: i32) -> (i32, i32) {
    %c0_i32 = arith.constant 0 : i32
    %c0_i32_0 = arith.constant 0 : i32
    %c0_i32_1 = arith.constant 0 : i32
    return %c0_i32, %c0_i32_0 : i32, i32
  }
  func.func @transform_7(%arg0: i32) -> (i32, i32) {
    %c0_i32 = arith.constant 0 : i32
    %c0_i32_0 = arith.constant 0 : i32
    %c0_i32_1 = arith.constant 0 : i32
    return %c0_i32, %c0_i32_0 : i32, i32
  }
  func.func @transform_8(%arg0: i32) -> (i32, i32) {
    %c0_i32 = arith.constant 0 : i32
    %c0_i32_0 = arith.constant 0 : i32
    return %arg0, %c0_i32 : i32, i32
  }
}

</mosaic_0001>

<sc_bundles>
// kernel: kernel.4.cloned.1.call-start
scs
__scs_entry_jumppad:
0x0: {  	(pc) =	sbr.rel $0x88, $3  }
0x1: {  	(tag) =	ssettag $0x0;
	lr =	simm.s32 $0x1  }
0x2: {  	[smem:$0x3F9B] =	sst lr;
	_ =	strace $0xD0000000  }
0x3: {  	_ = 	snop  }
0x4: {  	_ = 	snop  }
0x5: {  	_ = 	snop  }
0x6: {  	_ = 	snop  }
0x7: {  	_ = 	snop  }
__scs_overlays_trampoline_lowered:
0x8: {  	[smem:$0x3FAA] =	sst s0  }
0x9: {  	[smem:$0x3FAB] =	sst s1  }
0xa: {  	[smem:$0x3FAC] =	sst s2  }
0xb: {  	[smem:$0x3FAD] =	sst s3  }
0xc: {  	[smem:$0x3FAE] =	sst s4  }
0xd: {  	[smem:$0x3FAF] =	sst s5  }
0xe: {  	[smem:$0x3FB0] =	sst s6  }
0xf: {  	[smem:$0x3FB1] =	sst s7  }
0x10: {  	[smem:$0x3FB2] =	sst s8  }
0x11: {  	[smem:$0x3FB3] =	sst s9;
	s0 =	simm.s32 @!p0 $0x0  }
0x12: {  	s1 =	sld [smem:$0x3F99];
	s0 =	simm.s32 @p0 $0x1  }
0x13: {  	[smem:$0x3FB4] =	sst s0;
	s0 =	simm.s32 @!p1 $0x0  }
0x14: {  	s2 =	sld [smem:$0x3F98];
	s0 =	simm.s32 @p1 $0x1  }
0x15: {  	[smem:$0x3FB5] =	sst s0;
	s0 =	simm.s32 @!p2 $0x0  }
0x16: {  	s3 =	sld [smem:$0x3FDB];
	s0 =	simm.s32 @p2 $0x1  }
0x17: {  	s4 =	simm.s32 $0x1BF5;
	[smem:$0x3FB7] =	sst s0  }
0x18: {  	s0 =	sld [smem:$0x3F9A];
	_ =	swait.ge [sflag:s4], $0x0  }
0x19: {  	s7 =	sld [smem:$0x3F9B]  }
0x1a: {  	s8 =	sadd.s32 $0xFFFFE003, lr  }
0x1b: {  	s9 =	sadd.s32 $0xFFFFFEF7, lr;
	s5 =	simm.s32 $0xFFFFFFFF;
	p2 =	slt.u32 s8, $0xFFFFF086  }
0x1c: {  	p1 =	slt.u32 s9, $0xF7A;
	s5 =	simm.s32 @!p2 $0x0  }
0x1d: {  	s5 =	simm.s32 @p1 $0x1;
	p0 =	seq.s32 s7, s2  }
0x1e: {  	s7 =	smul.u32 @!p0 $0xF7A, s2;
	p2 =	seq.s32 @!p0 s5, $0x0  }
0x1f: {  	s9 =	smul.u32 $0xF7A, s1;
	s8 =	simm.s32 @!p0 $0x1BF5;
	p2 =	por !p2, p0  }
0x20: {  	[sflag:s8] =	ssyncset.s32 @!p0 $0xFFFFF086;
	s6 =	sadd.s32 @!p0 s3, s7;
	s7 =	simm.s32 @!p0 $0x108  }
0x21: {  	s3 =	sadd.s32 s3, s9;
	s6 =	sadd.s32 @!p0 $0x88, s6;
	s7 =	simm.s32 @p2 $0x1082  }
0x22: {  	[simem:s7], [sflag:s8] =	dma.local @!p0 [hbm:s6], $0xF7A  }
0x23: {  	s9 =	sor.u32 $0xD0000000, s2;
	s6 =	simm.s32 $0x108;
	_ =	swait.ge @!p0 [sflag:s8], $0x0  }
0x24: {  	s3 =	sadd.s32 $0x88, s3;
	s6 =	simm.s32 @!p1 $0x1082;
	[sflag:s4] =	ssyncset.s32 $0xFFFFF086  }
0x25: {  	[simem:s6], [sflag:s4] =	dma.local [hbm:s3], $0xF7A  }
0x26: {  	[smem:$0x3F9B] =	sst s1;
	(tag) =	ssettag s2;
	_ =	strace s9  }
0x27: {  	s1 =	sld [smem:$0x3FAB]  }
0x28: {  	s2 =	sld [smem:$0x3FAC]  }
0x29: {  	s4 =	sld [smem:$0x3FAE]  }
0x2a: {  	p0 =	seq.s32 s5, $0x0;
	s5 =	sld [smem:$0x3FAF]  }
0x2b: {  	s6 =	sld [smem:$0x3FB0]  }
0x2c: {  	s7 =	sld [smem:$0x3FB1]  }
0x2d: {  	s3 =	simm.s32 $0x108;
	s8 =	sld [smem:$0x3FB2]  }
0x2e: {  	s3 =	simm.s32 @!p0 $0x1082;
	s9 =	sld [smem:$0x3FB3]  }
0x2f: {  	lr =	sadd.s32 s0, s3;
	s0 =	sld [smem:$0x3FAA]  }
0x30: {  	s3 =	sld [smem:$0x3FAD]  }
0x31: {  	[smem:$0x3FB6] =	sst s10  }
0x32: {  	s10 =	sld [smem:$0x3FB4];
	_ =	sdelay $0x3  }
0x33: {  	p0 =	seq.s32 s10, $0x1;
	s10 =	sld [smem:$0x3FB6];
	_ =	sdelay $0x3  }
0x34: {  	[smem:$0x3FB6] =	sst s10  }
0x35: {  	s10 =	sld [smem:$0x3FB5];
	_ =	sdelay $0x3  }
0x36: {  	p1 =	seq.s32 s10, $0x1;
	s10 =	sld [smem:$0x3FB6];
	_ =	sdelay $0x3  }
0x37: {  	[smem:$0x3FB6] =	sst s10  }
0x38: {  	s10 =	sld [smem:$0x3FB7]  }
0x39: {  	_ = 	snop;
	(pc) =	sbr.ind lr, $3  }
0x3a: {  	_ = 	snop  }
0x3b: {  	_ = 	snop  }
0x3c: {  	p2 =	seq.s32 s10, $0x1;
	s10 =	sld [smem:$0x3FB6]  }
0x3d: {  	_ =	shalt  }
0x3e: {  	_ =	shalt  }
0x3f: {  	_ =	shalt  }
0x40: {  	_ =	shalt  }
0x41: {  	_ =	shalt  }
0x42: {  	_ =	shalt  }
0x43: {  	_ =	shalt  }
0x44: {  	_ =	shalt  }
0x45: {  	_ =	shalt  }
0x46: {  	_ =	shalt  }
0x47: {  	_ =	shalt  }
0x48: {  	_ =	shalt  }
0x49: {  	_ =	shalt  }
0x4a: {  	_ =	shalt  }
0x4b: {  	_ =	shalt  }
0x4c: {  	_ =	shalt  }
0x4d: {  	_ =	shalt  }
0x4e: {  	_ =	shalt  }
0x4f: {  	_ =	shalt  }
0x50: {  	_ =	shalt  }
0x51: {  	_ =	shalt  }
0x52: {  	_ =	shalt  }
0x53: {  	_ =	shalt  }
0x54: {  	_ =	shalt  }
0x55: {  	_ =	shalt  }
0x56: {  	_ =	shalt  }
0x57: {  	_ =	shalt  }
0x58: {  	_ =	shalt  }
0x59: {  	_ =	shalt  }
0x5a: {  	_ =	shalt  }
0x5b: {  	_ =	shalt  }
0x5c: {  	_ =	shalt  }
0x5d: {  	_ =	shalt  }
0x5e: {  	_ =	shalt  }
0x5f: {  	_ =	shalt  }
0x60: {  	_ =	shalt  }
0x61: {  	_ =	shalt  }
0x62: {  	_ =	shalt  }
0x63: {  	_ =	shalt  }
0x64: {  	_ =	shalt  }
0x65: {  	_ =	shalt  }
0x66: {  	_ =	shalt  }
0x67: {  	_ =	shalt  }
0x68: {  	_ =	shalt  }
0x69: {  	_ =	shalt  }
0x6a: {  	_ =	shalt  }
0x6b: {  	_ =	shalt  }
0x6c: {  	_ =	shalt  }
0x6d: {  	_ =	shalt  }
0x6e: {  	_ =	shalt  }
0x6f: {  	_ =	shalt  }
0x70: {  	_ =	shalt  }
0x71: {  	_ =	shalt  }
0x72: {  	_ =	shalt  }
0x73: {  	_ =	shalt  }
0x74: {  	_ =	shalt  }
0x75: {  	_ =	shalt  }
0x76: {  	_ =	shalt  }
0x77: {  	_ =	shalt  }
0x78: {  	_ =	shalt  }
0x79: {  	_ =	shalt  }
0x7a: {  	_ =	shalt  }
0x7b: {  	_ =	shalt  }
0x7c: {  	_ =	shalt  }
0x7d: {  	_ =	shalt  }
0x7e: {  	_ =	shalt  }
0x7f: {  	_ =	shalt  }
0x80: {  	_ =	shalt  }
0x81: {  	_ =	shalt  }
0x82: {  	_ =	shalt  }
0x83: {  	_ =	shalt  }
0x84: {  	_ =	shalt  }
0x85: {  	_ =	shalt  }
0x86: {  	_ =	shalt  }
0x87: {  	_ =	shalt  }
.Lfunc_end0:
.L_simem_size_0:
called_computation_lowered:
.L_overlay_start_0:
0x88: {  	s2 =	sld [smem:$0x3FD9]  }
0x89: {  	s3 =	sld [smem:$0x3FFE];
	_ =	sdelay $0x1  }
0x8a: {  	s1 =	srdreg.scid  }
0x8b: {  	s0 =	sand.u32 $0x1, s1  }
0x8c: {  	s17 =	sshll.u32 s0, $0xA;
	s2 =	sadd.s32 s3, s2  }
0x8d: {  	s2 =	sadd.s32 s2, s17  }
0x8e: {  	[smem:$0x3FC2] =	sst s2  }
0x8f: {  	_ = 	snop  }
0x90: {  	s2 =	sld [smem:$0x3FD0];
	(tm) =	ssettm $0x1  }
0x91: {  	s18 =	sld [smem:$0x3FFB];
	_ =	sdelay $0x3  }
0x92: {  	_ =	strace s18  }
0x93: {  	s3 =	sld [smem:$0x3FFC];
	_ =	sdelay $0x3  }
0x94: {  	_ =	strace s3  }
0x95: {  	s3 =	sld [smem:$0x3FFD];
	_ =	sdelay $0x3  }
0x96: {  	_ =	strace s3  }
0x97: {  	_ =	strace $0x8FFFFFFF  }
0x98: {  	s19 =	sld [smem:$0x3FDB];
	_ =	sdelay $0x1  }
0x99: {  	s4 =	simm.s32 $_scs_section_size  }
0x9a: {  	s5 =	simm.s32 $_size__tile_overlayer_lowered;
	s6 =	simm.s32 $_tile_overlayer_lowered  }
0x9b: {  	s22 =	simm.s32 $0x1BFF;
	s21 =	sshll.u32 s6, $0x1;
	s3 =	sadd.s32 s4, s19  }
0x9c: {  	s7 =	simm.s32 $0x0;
	s20 =	sshll.u32 s5, $0x1;
	s5 =	sadd.s32 s21, s3  }
0x9d: {  	[timem:s7], [sflag:s22] =	dma.local [hbm:s5], s20  }
0x9e: {  	_ =	swait.ge [sflag:s22], s20  }
0x9f: {  	s4 =	ssub.s32 $0x0, s20;
	[sflag:s22] =	ssyncset.done $0x0  }
0xa0: {  	[sflag:s22] =	ssyncadd.s32 s4;
	_ =	sdelay $0x1  }
0xa1: {  	s23 =	simm.s32 $0x1B8B  }
0xa2: {  	_ =	swait.ge [sflag:s23], $0x1  }
0xa3: {  	[sflag:s23] =	ssyncset.done $0x0  }
0xa4: {  	s25 =	simm.s32 $0x1B8E;
	s24 =	sld [smem:$0x3FFE];
	[sflag:s23] =	ssyncadd.s32 $0xFFFFFFFF  }
0xa5: {  	s26 =	simm.s32 $execute0_lowered;
	[smem:$0x3FD2] =	sst s25  }
0xa6: {  	s5 =	sshll.u32 s26, $0x1;
	_ =	strace $0x80000046;
	[dreg:$0x1] =	wrdreg $0xFFFFFFFF  }
0xa7: {  	s28 =	simm.s32 $_size_execute0_lowered;
	s3 =	sadd.s32 s3, s5;
	[dreg:$0x0] =	wrdreg $0x0  }
0xa8: {  	s5 =	sshll.u32 s28, $0x1;
	[dreg:$0x2] =	wrdreg s3  }
0xa9: {  	[dreg:$0x3] =	wrdreg s5  }
0xaa: {  	[dreg:$0x4] =	wrdreg $0xC0  }
0xab: {  	_ =	task [dreg:s7], $0x5FFFF  }
0xac: {  	[dreg:$0x1] =	wrdreg $0xFFFFFFFF  }
0xad: {  	[dreg:$0x0] =	wrdreg $0x60  }
0xae: {  	[dreg:$0x2] =	wrdreg s2  }
0xaf: {  	[dreg:$0x3] =	wrdreg s24  }
0xb0: {  	[dreg:$0x4] =	wrdreg $0x9  }
0xb1: {  	_ =	task.clear_ibuf [dreg:s7], $0x5FFFF;
	_ =	strace $0x90000046  }
0xb2: {  	s29 =	simm.s32 $0x9;
	_ =	strace $0x80000048  }
0xb3: {  	_ =	swait.ge [sflag:s29], $0x1  }
0xb4: {  	[sflag:s29] =	ssyncadd.s32 $0xFFFFFFFF  }
0xb5: {  	_ =	strace $0x90000048  }
0xb6: {  	_ =	sfence  }
0xb7: {  	s30 =	sld [smem:$0x0];
	_ =	sdelay $0x2  }
0xb8: {  	s31 =	sshll.u32 s1, $0xD;
	s1 =	sshrl.u32 s1, $0x2  }
0xb9: {  	s3 =	sand.u32 $0x4000, s31;
	s1 =	sadd.s32 s1, s30  }
0xba: {  	s0 =	sor.u32 s3, s0;
	s1 =	sshll.u32 s1, $0x11  }
0xbb: {  	s0 =	sor.u32 s1, s0  }
0xbc: {  	s0 =	sadd.s32 $0x8F2B, s0  }
0xbd: {  	[sflag:s0] =	ssyncadd.remote.s32 $0x1  }
0xbe: {  	_ =	sfence.sel $0xFFFF  }
0xbf: {  	[dreg:$0x0] =	wrdreg $0xFFFFFFFF;
	(pc) =	sbr.abs _section_cstart, $3  }
0xc0: {  	[dreg:$0x1] =	wrdreg $0xFFFFFFFF  }
0xc1: {  	_ =	task.clear_ibuf [dreg:s7], $0x2FFFF;
	_ =	strace $0x9FFFFFFF  }
0xc2: {  	(tm) =	ssettm $0x7FFFFFFF  }
0xc3: {  	_ =	shalt  }
tec
execute0_lowered:
.L_overlay_start_1:
0x0: {  	(tag) =	ssettag $0x1  }
0x1: {  	s3 =	rddreg [dreg:$0x0]  }
0x2: {  	s4 =	rddreg [dreg:$0x1]  }
0x3: {  	s0 =	rddreg [dreg:$0x2];
	s5 =	srdreg.scid  }
0x4: {  	s1 =	stileid.u32;
	s2 =	simm.s32 $0x0;
	s9 =	simm.s32 $0x3420  }
0x5: {  	s10 =	simm.s32 $0x0;
	s5 =	sand.u32 $0x1, s5;
	s6 =	sshll.u32 s1, $0x1  }
0x6: {  	[smem:$0x7FF] =	sst s2;
	s6 =	sor.u32 s5, s6;
	s5 =	ssub.s32 $0x2, s5  }
0x7: {  	s7 =	sshll.u32 s6, $0x2;
	s6 =	smul.u32 $0x680, s6;
	s31 =	sshrl.u32 s5, $0x1  }
0x8: {  	_ =	strace $0x80000047;
	s7 =	sadd.s32 s7, s4;
	s8 =	ssub.s32 s5, s31  }
0x9: {  	s3 =	sadd.s32 s3, s6;
	s4 =	sadd.s32 $0xE00, s7;
	s5 =	sadd.s32 $0xE80, s7  }
0xa: {  	s6 =	smax.u32 s8, $0x1;
	s7 =	simm.s32 $0x1;
	s8 =	simm.s32 $0x3400  }
.LBB2_1:
0xb: {  	[tilespmem:s2], [sflag:$0x1] =	stream.linear.gather [hbm4b:s3+s2], $0x3400, $0x38;
	[tilespmem:$0x3480] =	vst v63  }
0xc: {  	_ =	swait.ge [sflag:s7], $0x3400  }
0xd: {  	[sflag:s7] =	ssyncset.done $0x0  }
0xe: {  	s12 =	simm.s32 $0x68;
	[sflag:s7] =	ssyncadd.s32 $0xFFFFCC00  }
0xf: {  	v8 =	vld [tilespmem:s12+$0xFFFFFF98]  }
0x10: {  	v9 =	vld [tilespmem:s12+$0xFFFFFFB2]  }
0x11: {  	v10 =	vld [tilespmem:s12+$0xFFFFFFCC]  }
0x12: {  	v4 =	vld [tilespmem:s12+$0xFFFFFFE6]  }
0x13: {  	v2 =	vld [tilespmem:s12+$0x0]  }
0x14: {  	v3 =	vld [tilespmem:s12+$0x1A]  }
0x15: {  	v12 =	vld [tilespmem:s12+$0xFFFFFFA2]  }
0x16: {  	v11 =	vimm.f32 $+Inf;
	v1 =	vld [tilespmem:s12+$0x34]  }
0x17: {  	v13 =	vld [tilespmem:s12+$0xFFFFFFBC];
	v0 =	vmin.f32 v11, v8  }
0x18: {  	v14 =	vld [tilespmem:s12+$0xFFFFFFD6];
	v0 =	vmin.f32 v0, v9  }
0x19: {  	v5 =	vmin.f32 v0, v10;
	v0 =	vld [tilespmem:s12+$0x4E]  }
0x1a: {  	v15 =	vimm.f32 $-Inf;
	v7 =	vld [tilespmem:s12+$0xFFFFFFF0];
	v11 =	vmin.f32 v11, v12;
	v5 =	vmin.f32 v5, v4  }
0x1b: {  	v6 =	vld [tilespmem:s12+$0xA];
	v16 =	vmax.f32 v15, v8;
	v12 =	vmax.f32 v15, v12;
	v5 =	vmin.f32 v5, v2  }
0x1c: {  	v8 =	vld [tilespmem:s12+$0x24];
	v11 =	vmin.f32 v11, v13;
	v15 =	vmax.f32 v16, v9;
	v5 =	vmin.f32 v5, v3  }
0x1d: {  	v63 =	vmax.f32 v12, v13;
	v9 =	vld [tilespmem:s12+$0x3E];
	v12 =	vmin.f32 v11, v14;
	v5 =	vmin.f32 v5, v1  }
0x1e: {  	s11 =	simm.s32 $0x0;
	v13 =	vmax.f32 v15, v10;
	v11 =	vmax.f32 v63, v14;
	v10 =	vld [tilespmem:s12+$0x58];
	s12 =	simm.s32 $0x138;
	v5 =	vmin.f32 v5, v0  }
.LBB2_2:
0x1f: {  	v14 =	vld [tilespmem:s12+$0xFFFFFF98];
	v12 =	vmin.f32 v12, v7;
	v4 =	vmax.f32 v13, v4;
	v7 =	vmax.f32 v11, v7  }
0x20: {  	v11 =	vld [tilespmem:s12+$0xFFFFFFB2];
	v12 =	vmin.f32 v12, v6;
	v2 =	vmax.f32 v4, v2;
	v4 =	vmax.f32 v7, v6  }
0x21: {  	v13 =	vld [tilespmem:s12+$0xFFFFFFCC];
	v6 =	vmin.f32 v12, v8;
	v2 =	vmax.f32 v2, v3;
	v3 =	vmax.f32 v4, v8  }
0x22: {  	v4 =	vld [tilespmem:s12+$0xFFFFFFE6];
	v6 =	vmin.f32 v6, v9;
	v1 =	vmax.f32 v2, v1;
	v3 =	vmax.f32 v3, v9  }
0x23: {  	v2 =	vld [tilespmem:s12+$0x0];
	v8 =	vmin.f32 v6, v10;
	v9 =	vmax.f32 v1, v0;
	v10 =	vmax.f32 v3, v10  }
0x24: {  	v0 =	vmin.f32 v5, v14;
	v3 =	vld [tilespmem:s12+$0x1A]  }
0x25: {  	v0 =	vmin.f32 v0, v11;
	v1 =	vld [tilespmem:s12+$0x34]  }
0x26: {  	v5 =	vmin.f32 v0, v13;
	v0 =	vld [tilespmem:s12+$0x4E]  }
0x27: {  	s11 =	sadd.s32 $0x8, s11;
	v12 =	vld [tilespmem:s12+$0xFFFFFFA2];
	v5 =	vmin.f32 v5, v4  }
0x28: {  	p0 =	slt.u32 s11, $0x1F8;
	v15 =	vld [tilespmem:s12+$0xFFFFFFBC];
	v5 =	vmin.f32 v5, v2  }
0x29: {  	v16 =	vld [tilespmem:s12+$0xFFFFFFD6];
	v5 =	vmin.f32 v5, v3  }
.Ltmp0:
0x2a: {  	v7 =	vld [tilespmem:s12+$0xFFFFFFF0];
	v5 =	vmin.f32 v5, v1;
	(pc) =	sbr.rel @p0 .LBB2_2-.Ltmp0, $4  }
0x2b: {  	v6 =	vld [tilespmem:s12+$0xA];
	v5 =	vmin.f32 v5, v0  }
0x2c: {  	v9 =	vmax.f32 v9, v14;
	v17 =	vmin.f32 v8, v12;
	v10 =	vmax.f32 v10, v12;
	v8 =	vld [tilespmem:s12+$0x24]  }
0x2d: {  	v11 =	vmax.f32 v9, v11;
	v12 =	vmin.f32 v17, v15;
	v10 =	vmax.f32 v10, v15;
	v9 =	vld [tilespmem:s12+$0x3E]  }
0x2e: {  	v13 =	vmax.f32 v11, v13;
	v12 =	vmin.f32 v12, v16;
	v11 =	vmax.f32 v10, v16;
	v10 =	vld [tilespmem:s12+$0x58];
	s12 =	sadd.s32 $0xD0, s12  }
0x2f: {  	v12 =	vmin.f32 v12, v7  }
0x30: {  	v4 =	vmax.f32 v13, v4;
	v12 =	vmin.f32 v12, v6  }
0x31: {  	v56 =	vmax.f32 v11, v7;
	v2 =	vmax.f32 v4, v2;
	v57 =	vmin.f32 v12, v8  }
0x32: {  	v58 =	vmax.f32 v56, v6;
	v2 =	vmax.f32 v2, v3;
	v59 =	vmin.f32 v57, v9  }
0x33: {  	[tilespmem:$0x3400] =	vst v5;
	v60 =	vmax.f32 v58, v8;
	v1 =	vmax.f32 v2, v1;
	v61 =	vmin.f32 v59, v10  }
0x34: {  	v62 =	vmax.f32 v60, v9;
	v0 =	vmax.f32 v1, v0;
	[tilespmem:$0x3410] =	vst v61  }
0x35: {  	v63 =	vmax.f32 v62, v10;
	[tilespmem:$0x3420] =	vst v0  }
0x36: {  	[tilespmem:$0x3430] =	vst v63  }
0x37: {  	[hbm4b:s4+s2] =	stream.linear.scatter [tilespmem:s8], [sflag:$0x1], $0x20, $0x38;
	[tilespmem:$0x3480] =	vst v63  }
0x38: {  	s10 =	sadd.s32 $0x1, s10;
	_ =	swait.ge [sflag:s7], $0x20  }
0x39: {  	p0 =	sne.s32 s10, s6;
	[sflag:s7] =	ssyncset.done $0x0  }
.Ltmp1:
0x3a: {  	[sflag:s7] =	ssyncadd.s32 $0xFFFFFFE0;
	(pc) =	sbr.rel @p0 .LBB2_1-.Ltmp1, $4  }
0x3b: {  	[hbm4b:s5+s2] =	stream.linear.scatter [tilespmem:s9], [sflag:$0x1], $0x20, $0x38;
	[tilespmem:$0x3480] =	vst v63  }
0x3c: {  	_ =	swait.ge [sflag:s7], $0x20  }
0x3d: {  	[sflag:s7] =	ssyncset.done $0x0  }
0x3e: {  	[sflag:s7] =	ssyncadd.s32 $0xFFFFFFE0  }
0x3f: {  	_ =	sfence.sel $0x180000  }
0x40: {  	[bflag:$0x0] =	sbarrier.arrive $0xFFFF  }
0x41: {  	p0 =	sne.s32 s1, $0x0;
	_ =	strace $0x90000047  }
0x42: {  	s0 =	sadd.s32 @!p0 $0x100000, s0;
	[bflag:$0x2] =	sbarrier.arrive $0xFFFF  }
0x43: {  	[sflag:s0] =	ssyncadd.tile.s32 @!p0 $0x1;
	_ =	shalt  }
.Lfunc_end2:
_tile_overlayer_lowered:
.L_overlay_start_2:
0x44: {  	(tag) =	ssettag $0x2  }
0x45: {  	s0 =	rddreg [dreg:$0x0];
	s2 =	stileid.u32  }
0x46: {  	s1 =	rddreg [dreg:$0x1];
	p0 =	sne.s32 s2, $0x0  }
0x47: {  	s3 =	rddreg [dreg:$0x2];
	[bflag:$0x3] =	sbarrier.arrive $0xFFFF;
	s2 =	simm.s32 @!p0 $0x1C01  }
0x48: {  	[timem:s3], [sflag:s2] =	dma.local @!p0 [hbm:s0], s1  }
0x49: {  	s0 =	simm.s32 @!p0 $0x1  }
0x4a: {  	_ =	swait.ge @!p0 [sflag:s0], s1  }
0x4b: {  	s1 =	ssub.s32 @!p0 $0x0, s1;
	[sflag:s0] =	ssyncset.done @!p0 $0x0  }
0x4c: {  	[sflag:s0] =	ssyncadd.s32 @!p0 s1  }
0x4d: {  	[bflag:$0x3] =	sbarrier.arrive $0xFFFF  }
0x4e: {  	_ =	shalt  }

</sc_bundles>
